<compile_context>
chip_gen: v7x
topology: tpu7x:2x2x1
jax: 0.10.2.dev20260603
libtpu: 0.0.44.dev20260713+nightly
codegen_flags: <defaults>
</compile_context>

<pallas_src>
import jax
import jax.numpy as jnp
from jax import lax
from jax.experimental import pallas as pl
from jax.experimental.pallas import tpu as pltpu
from jax.experimental.pallas import tpu_sc as plsc

N = 16 * 512 * 512
NC, NS, L = 2, 16, 16
NW = NC * NS
K = 8192
B = 12.0
SCALE = K / (2.0 * B)
MAGIC = 12582912.0
OFF = MAGIC + K / 2.0
RR = 32
ROWS_PER_W = 512 // 2
NCHUNK = ROWS_PER_W // RR
VPC = RR * 512 // L
R0 = K // 128


def _sc_hist(x_hbm, t_hbm, out_hbm, xb0, tb0, xb1, tb1, hist,
             sx0, st0, sx1, st1):
    wid = lax.axis_index("s") * NC + lax.axis_index("c")
    img = wid // 2
    row0 = (wid % 2) * ROWS_PER_W

    zeros = jnp.zeros((L,), jnp.float32)
    ones = jnp.ones((L,), jnp.float32)

    @plsc.parallel_loop(0, 2 * R0 * 8)
    def _zero(j):
        hist[j >> 3, pl.ds((j & 7) * L, L)] = zeros

    xbufs, tbufs = (xb0, xb1), (tb0, tb1)
    sxs, sts = (sx0, sx1), (st0, st1)

    def issue(g):
        r = row0 + g * RR
        b = g % 2
        cx = pltpu.async_copy(x_hbm.at[img, pl.ds(r, RR), :], xbufs[b], sxs[b])
        ct = pltpu.async_copy(t_hbm.at[img, pl.ds(r, RR), :], tbufs[b], sts[b])
        return cx, ct

    pending = issue(0)
    for g in range(NCHUNK):
        b = g % 2
        pending[0].wait()
        pending[1].wait()
        if g + 1 < NCHUNK:
            pending = issue(g + 1)
        xbuf, tbuf = xbufs[b], tbufs[b]

        @plsc.parallel_loop(0, VPC, unroll=4)
        def _body(i):
            r = i >> 5
            c = (i & 31) * L
            xv = xbuf[r, pl.ds(c, L)]
            tv = tbuf[r, pl.ds(c, L)]
            m = xv * SCALE + OFF
            m = jnp.minimum(jnp.maximum(m, MAGIC), MAGIC + (K - 1.0))
            bits = plsc.bitcast(m, jnp.int32)
            row = ((bits >> 7) & (R0 - 1)) | (tv << 6)
            col = bits & 127
            plsc.addupdate_scatter(hist, [row, col], ones)

    pltpu.sync_copy(hist, out_hbm.at[pl.ds(wid * 2 * R0, 2 * R0), :])


def _make_sc_call():
    mesh = plsc.VectorSubcoreMesh(core_axis_name="c", subcore_axis_name="s")
    return pl.kernel(
        _sc_hist,
        mesh=mesh,
        compiler_params=pltpu.CompilerParams(needs_layout_passes=False),
        out_type=jax.ShapeDtypeStruct((NW * 2 * R0, 128), jnp.float32),
        scratch_types=[
            pltpu.VMEM((RR, 512), jnp.float32),
            pltpu.VMEM((RR, 512), jnp.int32),
            pltpu.VMEM((RR, 512), jnp.float32),
            pltpu.VMEM((RR, 512), jnp.int32),
            pltpu.VMEM((2 * R0, 128), jnp.float32),
            pltpu.SemaphoreType.DMA,
            pltpu.SemaphoreType.DMA,
            pltpu.SemaphoreType.DMA,
            pltpu.SemaphoreType.DMA,
        ],
    )


def _tc_combine(h_ref, o_ref):
    hr = h_ref[...].reshape(NW, 2, R0, 128)
    c0 = hr[0, 0]
    c1 = hr[0, 1]
    for w in range(1, NW):
        c0 = c0 + hr[w, 0]
        c1 = c1 + hr[w, 1]
    P = jnp.sum(c1)
    T0 = jnp.sum(c0)

    r_i = lax.broadcasted_iota(jnp.int32, (R0, R0), 0)
    r_j = lax.broadcasted_iota(jnp.int32, (R0, R0), 1)
    lstrict = (r_i > r_j).astype(jnp.float32)
    c_i = lax.broadcasted_iota(jnp.int32, (128, 128), 0)
    c_j = lax.broadcasted_iota(jnp.int32, (128, 128), 1)
    utri = (c_i <= c_j).astype(jnp.float32)
    ones_c = jnp.ones((128, 128), jnp.float32)

    row_tot = jnp.dot(c0, ones_c, preferred_element_type=jnp.float32)
    incl = jnp.dot(lstrict, row_tot, preferred_element_type=jnp.float32)
    incl = incl + jnp.dot(c0, utri, preferred_element_type=jnp.float32)

    a = T0 - incl
    ac = a + c0

    def v(m):
        return m / jnp.maximum(P + m, 1.0)

    mass = v(ac) - v(a)

    kk = (lax.broadcasted_iota(jnp.int32, (R0, 128), 0) * 128
          + lax.broadcasted_iota(jnp.int32, (R0, 128), 1)
          ).astype(jnp.float32)
    centers = (kk - K / 2.0) * (1.0 / SCALE)
    s_hat = 1.0 / (1.0 + jnp.exp(-centers))

    loss0 = jnp.sum(mass * (1.0 + s_hat))
    loss1 = jnp.sum(c1 * (1.0 - s_hat)) / float(N)
    o_ref[...] = jnp.full((1, 1), loss0 + loss1, jnp.float32)


def _make_tc_call():
    return pl.pallas_call(
        _tc_combine,
        out_shape=jax.ShapeDtypeStruct((1, 1), jnp.float32),
    )


@jax.jit
def kernel(inputs, targets):
    hist = _make_sc_call()(inputs, targets)
    loss = _make_tc_call()(hist)
    return loss.reshape(())

# --- scband reference (transcript-rebuilt; emitter-appended) ---
"""Pipeline reference for scband-lovasz-hinge-loss-48258252538646 (READ-ONLY COPY).

The authoritative reference and input builder live on the scoring server;
editing this copy changes nothing except your own understanding.
"""

import jax, jax.numpy as jnp
import numpy as np


def setup_inputs(seed: int = 0) -> dict:
    key = jax.random.key(seed)
    k1, k2 = jax.random.split(key)
    inputs = jax.random.normal(k1, (16, 512, 512), dtype=jnp.float32)
    targets = jax.random.randint(k2, (16, 512, 512), 0, 2, dtype=jnp.int32)
    return {"inputs": inputs, "targets": targets}


def _lovasz_hinge_flat(scores, labels):
    # scores: float [P], labels: int [P] in {0,1}
    signs = 2.0 * labels.astype(jnp.float32) - 1.0
    errors = 1.0 - scores * signs
    # descending sort
    perm = jnp.argsort(-errors)
    errors_sorted = errors[perm]
    gt_sorted = labels[perm].astype(jnp.float32)
    gts = gt_sorted.sum()
    intersection = gts - jnp.cumsum(gt_sorted)
    union = gts + jnp.cumsum(1.0 - gt_sorted)
    jaccard = 1.0 - intersection / union
    # jaccard[1:] = jaccard[1:] - jaccard[:-1]
    jaccard = jnp.concatenate([jaccard[:1], jaccard[1:] - jaccard[:-1]])
    loss = jnp.dot(jax.nn.relu(errors_sorted), jaccard)
    return loss


def reference(inputs, targets):
    # module applies sigmoid first, then lovasz_hinge(per_image=False, ignore=None)
    scores = jax.nn.sigmoid(inputs).reshape(-1)
    labels = targets.reshape(-1)
    return _lovasz_hinge_flat(scores, labels)

if __name__ == "__main__":
    import jax
    _d = setup_inputs()
    print(jax.jit(kernel)(*tuple(_d.values())))

</pallas_src>

<mosaic_0001>
#map = affine_map<(d0, d1) -> (0, 0, 0)>
#map1 = affine_map<(d0, d1) -> (0, 0)>
module attributes {stable_mosaic.version = 14 : i64} {
  func.func @_sc_hist(%arg0: i32, %arg1: i32, %arg2: memref<16x512x512xf32, #tpu.memory_space<hbm>>, %arg3: memref<16x512x512xi32, #tpu.memory_space<hbm>>, %arg4: memref<4096x128xf32, #tpu.memory_space<hbm>>, %arg5: memref<32x512xf32, #tpu.memory_space<vmem>>, %arg6: memref<32x512xi32, #tpu.memory_space<vmem>>, %arg7: memref<32x512xf32, #tpu.memory_space<vmem>>, %arg8: memref<32x512xi32, #tpu.memory_space<vmem>>, %arg9: memref<128x128xf32, #tpu.memory_space<vmem>>, %arg10: memref<!tpu.dma_semaphore, #tpu.memory_space<semaphore_mem>>, %arg11: memref<!tpu.dma_semaphore, #tpu.memory_space<semaphore_mem>>, %arg12: memref<!tpu.dma_semaphore, #tpu.memory_space<semaphore_mem>>, %arg13: memref<!tpu.dma_semaphore, #tpu.memory_space<semaphore_mem>>) attributes {dimension_semantics = [#tpu.dimension_semantics<core_parallel>, #tpu.dimension_semantics<subcore_parallel>], iteration_bounds = array<i64: 2, 16>, scalar_prefetch = 0 : i64, scratch_operands = 9 : i64, tpu.core_type = #tpu.core_type<sc_vector_subcore>, window_params = [{transform_indices = #map}, {transform_indices = #map}, {transform_indices = #map1}]} {
    %mul3A = arith.constant 2 : i32
    %mul3A_0 = arith.muli %arg1, %mul3A : i32
    %add3A = arith.addi %mul3A_0, %arg0 : i32
    %jit3A = arith.constant 2 : i32
    %div3A = arith.divsi %add3A, %jit3A : i32
    %sign3A = arith.constant 0 : i32
    %sign3A_1 = arith.cmpi sgt, %add3A, %sign3A : i32
    %sign3A_2 = arith.extui %sign3A_1 : i1 to i32
    %sign3A_3 = arith.constant 0 : i32
    %sign3A_4 = arith.cmpi slt, %add3A, %sign3A_3 : i32
    %sign3A_5 = arith.extui %sign3A_4 : i1 to i32
    %sign3A_6 = arith.subi %sign3A_2, %sign3A_5 : i32
    %sign3A_7 = arith.constant 0 : i32
    %sign3A_8 = arith.cmpi sgt, %jit3A, %sign3A_7 : i32
    %sign3A_9 = arith.extui %sign3A_8 : i1 to i32
    %sign3A_10 = arith.constant 0 : i32
    %sign3A_11 = arith.cmpi slt, %jit3A, %sign3A_10 : i32
    %sign3A_12 = arith.extui %sign3A_11 : i1 to i32
    %sign3A_13 = arith.subi %sign3A_9, %sign3A_12 : i32
    %ne3A = arith.cmpi ne, %sign3A_6, %sign3A_13 : i32
    %rem3A = arith.remsi %add3A, %jit3A : i32
    %ne3A_14 = arith.constant 0 : i32
    %ne3A_15 = arith.cmpi ne, %rem3A, %ne3A_14 : i32
    %and3A = arith.andi %ne3A, %ne3A_15 : i1
    %sub3A = arith.constant 1 : i32
    %sub3A_16 = arith.subi %div3A, %sub3A : i32
    %select_n3A = arith.select %and3A, %sub3A_16, %div3A : i32
    %jit3A_17 = arith.constant 2 : i32
    %eq3A = arith.constant 0 : i32
    %eq3A_18 = arith.cmpi eq, %jit3A_17, %eq3A : i32
    %jit3A_19 = arith.constant 1 : i32
    %select_n3A_20 = arith.select %eq3A_18, %jit3A_19, %jit3A_17 : i32
    %rem3A_21 = arith.remsi %add3A, %select_n3A_20 : i32
    %ne3A_22 = arith.constant 0 : i32
    %ne3A_23 = arith.cmpi ne, %rem3A_21, %ne3A_22 : i32
    %lt3A = arith.constant 0 : i32
    %lt3A_24 = arith.cmpi slt, %rem3A_21, %lt3A : i32
    %lt3A_25 = arith.constant 0 : i32
    %lt3A_26 = arith.cmpi slt, %select_n3A_20, %lt3A_25 : i32
    %ne3A_27 = arith.xori %lt3A_24, %lt3A_26 : i1
    %and3A_28 = arith.andi %ne3A_27, %ne3A_23 : i1
    %add3A_29 = arith.addi %rem3A_21, %select_n3A_20 : i32
    %select_n3A_30 = arith.select %and3A_28, %add3A_29, %rem3A_21 : i32
    %mul3A_31 = arith.constant 256 : i32
    %mul3A_32 = arith.muli %select_n3A_30, %mul3A_31 : i32
    %broadcast_in_dim3A = arith.constant 0.000000e+00 : f32
    %broadcast_in_dim3A_33 = vector.broadcast %broadcast_in_dim3A : f32 to vector<16xf32>
    %broadcast_in_dim3A_34 = arith.constant 1.000000e+00 : f32
    %broadcast_in_dim3A_35 = vector.broadcast %broadcast_in_dim3A_34 : f32 to vector<16xf32>
    %parallel_loop3A = arith.constant 0 : i32
    %parallel_loop3A_36 = arith.constant 1024 : i32
    %parallel_loop3A_37 = arith.constant 1 : i32
    scf.for %parallel_loop3A_272 = %parallel_loop3A to %parallel_loop3A_36 step %parallel_loop3A_37  : i32 {
      %parallel_loop3A_273 = arith.constant 3 : i32
      %parallel_loop3A_274 = arith.shrsi %parallel_loop3A_272, %parallel_loop3A_273 : i32
      %parallel_loop3A_275 = arith.constant 7 : i32
      %parallel_loop3A_276 = arith.andi %parallel_loop3A_272, %parallel_loop3A_275 : i32
      %parallel_loop3A_277 = arith.constant 16 : i32
      %parallel_loop3A_278 = arith.muli %parallel_loop3A_276, %parallel_loop3A_277 : i32
      %parallel_loop3A_279 = arith.index_cast %parallel_loop3A_274 : i32 to index
      %parallel_loop3A_280 = arith.index_cast %parallel_loop3A_278 : i32 to index
      %parallel_loop3A_281 = tpu.vector_load %arg9[%parallel_loop3A_279, %parallel_loop3A_280] {strides = array<i32>} : memref<128x128xf32, #tpu.memory_space<vmem>>, vector<16xf32>,
      tpu.vector_store %arg9[%parallel_loop3A_279, %parallel_loop3A_280], %broadcast_in_dim3A_33 {strides = array<i32>} : memref<128x128xf32, #tpu.memory_space<vmem>>, vector<16xf32>,
    } {sc.loop_unroll_factor = 1 : i64, sc.parallel_access}
    %add3A_38 = arith.constant 0 : i32
    %add3A_39 = arith.addi %mul3A_32, %add3A_38 : i32
    %dma_start3A = arith.constant 0 : i32
    %dma_start3A_40 = tpu.memref_slice %arg2[%select_n3A, %add3A_39, %dma_start3A] : memref<16x512x512xf32, #tpu.memory_space<hbm>> -> memref<1x32x512xf32, #tpu.memory_space<hbm>>
    %dma_start3A_41 = tpu.memref_squeeze %dma_start3A_40 : memref<1x32x512xf32, #tpu.memory_space<hbm>> -> memref<32x512xf32, #tpu.memory_space<hbm>>
    %dma_start3A_42 = arith.constant 0 : i32
    %dma_start3A_43 = tpu.memref_slice %arg2[%select_n3A, %add3A_39, %dma_start3A_42] : memref<16x512x512xf32, #tpu.memory_space<hbm>> -> memref<1x32x512xf32, #tpu.memory_space<hbm>>
    %dma_start3A_44 = tpu.memref_squeeze %dma_start3A_43 : memref<1x32x512xf32, #tpu.memory_space<hbm>> -> memref<32x512xf32, #tpu.memory_space<hbm>>
    tpu.enqueue_dma source(%dma_start3A_44 : memref<32x512xf32, #tpu.memory_space<hbm>>) target(%arg5 : memref<32x512xf32, #tpu.memory_space<vmem>>) target_semaphore(%arg10 : memref<!tpu.dma_semaphore, #tpu.memory_space<semaphore_mem>>)
    %dma_start3A_45 = arith.constant 0 : i32
    %dma_start3A_46 = tpu.memref_slice %arg3[%select_n3A, %add3A_39, %dma_start3A_45] : memref<16x512x512xi32, #tpu.memory_space<hbm>> -> memref<1x32x512xi32, #tpu.memory_space<hbm>>
    %dma_start3A_47 = tpu.memref_squeeze %dma_start3A_46 : memref<1x32x512xi32, #tpu.memory_space<hbm>> -> memref<32x512xi32, #tpu.memory_space<hbm>>
    %dma_start3A_48 = arith.constant 0 : i32
    %dma_start3A_49 = tpu.memref_slice %arg3[%select_n3A, %add3A_39, %dma_start3A_48] : memref<16x512x512xi32, #tpu.memory_space<hbm>> -> memref<1x32x512xi32, #tpu.memory_space<hbm>>
    %dma_start3A_50 = tpu.memref_squeeze %dma_start3A_49 : memref<1x32x512xi32, #tpu.memory_space<hbm>> -> memref<32x512xi32, #tpu.memory_space<hbm>>
    tpu.enqueue_dma source(%dma_start3A_50 : memref<32x512xi32, #tpu.memory_space<hbm>>) target(%arg6 : memref<32x512xi32, #tpu.memory_space<vmem>>) target_semaphore(%arg11 : memref<!tpu.dma_semaphore, #tpu.memory_space<semaphore_mem>>)
    %dma_wait3A = arith.constant 0 : i32
    %dma_wait3A_51 = tpu.memref_slice %arg2[%select_n3A, %add3A_39, %dma_wait3A] : memref<16x512x512xf32, #tpu.memory_space<hbm>> -> memref<1x32x512xf32, #tpu.memory_space<hbm>>
    %dma_wait3A_52 = tpu.memref_squeeze %dma_wait3A_51 : memref<1x32x512xf32, #tpu.memory_space<hbm>> -> memref<32x512xf32, #tpu.memory_space<hbm>>
    %dma_wait3A_53 = arith.constant 0 : i32
    %dma_wait3A_54 = tpu.memref_slice %arg2[%select_n3A, %add3A_39, %dma_wait3A_53] : memref<16x512x512xf32, #tpu.memory_space<hbm>> -> memref<1x32x512xf32, #tpu.memory_space<hbm>>
    %dma_wait3A_55 = tpu.memref_squeeze %dma_wait3A_54 : memref<1x32x512xf32, #tpu.memory_space<hbm>> -> memref<32x512xf32, #tpu.memory_space<hbm>>
    tpu.wait_dma2 semaphore(%arg10 : memref<!tpu.dma_semaphore, #tpu.memory_space<semaphore_mem>>) src(%dma_wait3A_55 : memref<32x512xf32, #tpu.memory_space<hbm>>) dst(%arg5 : memref<32x512xf32, #tpu.memory_space<vmem>>)
    %dma_wait3A_56 = arith.constant 0 : i32
    %dma_wait3A_57 = tpu.memref_slice %arg3[%select_n3A, %add3A_39, %dma_wait3A_56] : memref<16x512x512xi32, #tpu.memory_space<hbm>> -> memref<1x32x512xi32, #tpu.memory_space<hbm>>
    %dma_wait3A_58 = tpu.memref_squeeze %dma_wait3A_57 : memref<1x32x512xi32, #tpu.memory_space<hbm>> -> memref<32x512xi32, #tpu.memory_space<hbm>>
    %dma_wait3A_59 = arith.constant 0 : i32
    %dma_wait3A_60 = tpu.memref_slice %arg3[%select_n3A, %add3A_39, %dma_wait3A_59] : memref<16x512x512xi32, #tpu.memory_space<hbm>> -> memref<1x32x512xi32, #tpu.memory_space<hbm>>
    %dma_wait3A_61 = tpu.memref_squeeze %dma_wait3A_60 : memref<1x32x512xi32, #tpu.memory_space<hbm>> -> memref<32x512xi32, #tpu.memory_space<hbm>>
    tpu.wait_dma2 semaphore(%arg11 : memref<!tpu.dma_semaphore, #tpu.memory_space<semaphore_mem>>) src(%dma_wait3A_61 : memref<32x512xi32, #tpu.memory_space<hbm>>) dst(%arg6 : memref<32x512xi32, #tpu.memory_space<vmem>>)
    %add3A_62 = arith.constant 32 : i32
    %add3A_63 = arith.addi %mul3A_32, %add3A_62 : i32
    %dma_start3A_64 = arith.constant 0 : i32
    %dma_start3A_65 = tpu.memref_slice %arg2[%select_n3A, %add3A_63, %dma_start3A_64] : memref<16x512x512xf32, #tpu.memory_space<hbm>> -> memref<1x32x512xf32, #tpu.memory_space<hbm>>
    %dma_start3A_66 = tpu.memref_squeeze %dma_start3A_65 : memref<1x32x512xf32, #tpu.memory_space<hbm>> -> memref<32x512xf32, #tpu.memory_space<hbm>>
    %dma_start3A_67 = arith.constant 0 : i32
    %dma_start3A_68 = tpu.memref_slice %arg2[%select_n3A, %add3A_63, %dma_start3A_67] : memref<16x512x512xf32, #tpu.memory_space<hbm>> -> memref<1x32x512xf32, #tpu.memory_space<hbm>>
    %dma_start3A_69 = tpu.memref_squeeze %dma_start3A_68 : memref<1x32x512xf32, #tpu.memory_space<hbm>> -> memref<32x512xf32, #tpu.memory_space<hbm>>
    tpu.enqueue_dma source(%dma_start3A_69 : memref<32x512xf32, #tpu.memory_space<hbm>>) target(%arg7 : memref<32x512xf32, #tpu.memory_space<vmem>>) target_semaphore(%arg12 : memref<!tpu.dma_semaphore, #tpu.memory_space<semaphore_mem>>)
    %dma_start3A_70 = arith.constant 0 : i32
    %dma_start3A_71 = tpu.memref_slice %arg3[%select_n3A, %add3A_63, %dma_start3A_70] : memref<16x512x512xi32, #tpu.memory_space<hbm>> -> memref<1x32x512xi32, #tpu.memory_space<hbm>>
    %dma_start3A_72 = tpu.memref_squeeze %dma_start3A_71 : memref<1x32x512xi32, #tpu.memory_space<hbm>> -> memref<32x512xi32, #tpu.memory_space<hbm>>
    %dma_start3A_73 = arith.constant 0 : i32
    %dma_start3A_74 = tpu.memref_slice %arg3[%select_n3A, %add3A_63, %dma_start3A_73] : memref<16x512x512xi32, #tpu.memory_space<hbm>> -> memref<1x32x512xi32, #tpu.memory_space<hbm>>
    %dma_start3A_75 = tpu.memref_squeeze %dma_start3A_74 : memref<1x32x512xi32, #tpu.memory_space<hbm>> -> memref<32x512xi32, #tpu.memory_space<hbm>>
    tpu.enqueue_dma source(%dma_start3A_75 : memref<32x512xi32, #tpu.memory_space<hbm>>) target(%arg8 : memref<32x512xi32, #tpu.memory_space<vmem>>) target_semaphore(%arg13 : memref<!tpu.dma_semaphore, #tpu.memory_space<semaphore_mem>>)
    %parallel_loop3A_76 = arith.constant 0 : i32
    %parallel_loop3A_77 = arith.constant 1024 : i32
    %parallel_loop3A_78 = arith.constant 1 : i32
    scf.for %parallel_loop3A_272 = %parallel_loop3A_76 to %parallel_loop3A_77 step %parallel_loop3A_78  : i32 {
      %parallel_loop3A_273 = arith.constant 5 : i32
      %parallel_loop3A_274 = arith.shrsi %parallel_loop3A_272, %parallel_loop3A_273 : i32
      %parallel_loop3A_275 = arith.constant 31 : i32
      %parallel_loop3A_276 = arith.andi %parallel_loop3A_272, %parallel_loop3A_275 : i32
      %parallel_loop3A_277 = arith.constant 16 : i32
      %parallel_loop3A_278 = arith.muli %parallel_loop3A_276, %parallel_loop3A_277 : i32
      %parallel_loop3A_279 = arith.index_cast %parallel_loop3A_274 : i32 to index
      %parallel_loop3A_280 = arith.index_cast %parallel_loop3A_278 : i32 to index
      %parallel_loop3A_281 = tpu.vector_load %arg5[%parallel_loop3A_279, %parallel_loop3A_280] {strides = array<i32>} : memref<32x512xf32, #tpu.memory_space<vmem>>, vector<16xf32>,
      %parallel_loop3A_282 = arith.index_cast %parallel_loop3A_274 : i32 to index
      %parallel_loop3A_283 = arith.index_cast %parallel_loop3A_278 : i32 to index
      %parallel_loop3A_284 = tpu.vector_load %arg6[%parallel_loop3A_282, %parallel_loop3A_283] {strides = array<i32>} : memref<32x512xi32, #tpu.memory_space<vmem>>, vector<16xi32>,
      %parallel_loop3A_285 = arith.constant 341.333344 : f32
      %parallel_loop3A_286 = vector.broadcast %parallel_loop3A_285 : f32 to vector<16xf32>
      %parallel_loop3A_287 = arith.mulf %parallel_loop3A_281, %parallel_loop3A_286 : vector<16xf32>
      %parallel_loop3A_288 = arith.constant 0x4B401000 : f32
      %parallel_loop3A_289 = vector.broadcast %parallel_loop3A_288 : f32 to vector<16xf32>
      %parallel_loop3A_290 = arith.addf %parallel_loop3A_287, %parallel_loop3A_289 : vector<16xf32>
      %parallel_loop3A_291 = arith.constant 0x4B400000 : f32
      %parallel_loop3A_292 = vector.broadcast %parallel_loop3A_291 : f32 to vector<16xf32>
      %parallel_loop3A_293 = arith.maximumf %parallel_loop3A_290, %parallel_loop3A_292 : vector<16xf32>
      %parallel_loop3A_294 = arith.constant 0x4B401FFF : f32
      %parallel_loop3A_295 = vector.broadcast %parallel_loop3A_294 : f32 to vector<16xf32>
      %parallel_loop3A_296 = arith.minimumf %parallel_loop3A_293, %parallel_loop3A_295 : vector<16xf32>
      %parallel_loop3A_297 = vector.bitcast %parallel_loop3A_296 : vector<16xf32> to vector<16xi32>
      %parallel_loop3A_298 = arith.constant 7 : i32
      %parallel_loop3A_299 = vector.broadcast %parallel_loop3A_298 : i32 to vector<16xi32>
      %parallel_loop3A_300 = arith.shrsi %parallel_loop3A_297, %parallel_loop3A_299 : vector<16xi32>
      %parallel_loop3A_301 = arith.constant 63 : i32
      %parallel_loop3A_302 = vector.broadcast %parallel_loop3A_301 : i32 to vector<16xi32>
      %parallel_loop3A_303 = arith.andi %parallel_loop3A_300, %parallel_loop3A_302 : vector<16xi32>
      %parallel_loop3A_304 = arith.constant 6 : i32
      %parallel_loop3A_305 = vector.broadcast %parallel_loop3A_304 : i32 to vector<16xi32>
      %parallel_loop3A_306 = arith.shli %parallel_loop3A_284, %parallel_loop3A_305 : vector<16xi32>
      %parallel_loop3A_307 = arith.ori %parallel_loop3A_303, %parallel_loop3A_306 : vector<16xi32>
      %parallel_loop3A_308 = arith.constant 127 : i32
      %parallel_loop3A_309 = vector.broadcast %parallel_loop3A_308 : i32 to vector<16xi32>
      %parallel_loop3A_310 = arith.andi %parallel_loop3A_297, %parallel_loop3A_309 : vector<16xi32>
      tpu.vector_store_idx %arg9[%parallel_loop3A_307, %parallel_loop3A_310], %broadcast_in_dim3A_35 {add = true} : memref<128x128xf32, #tpu.memory_space<vmem>>[vector<16xi32>, vector<16xi32>], vector<16xf32>,
    } {sc.loop_unroll_factor = 4 : i64, sc.parallel_access}
    %dma_wait3A_79 = arith.constant 0 : i32
    %dma_wait3A_80 = tpu.memref_slice %arg2[%select_n3A, %add3A_63, %dma_wait3A_79] : memref<16x512x512xf32, #tpu.memory_space<hbm>> -> memref<1x32x512xf32, #tpu.memory_space<hbm>>
    %dma_wait3A_81 = tpu.memref_squeeze %dma_wait3A_80 : memref<1x32x512xf32, #tpu.memory_space<hbm>> -> memref<32x512xf32, #tpu.memory_space<hbm>>
    %dma_wait3A_82 = arith.constant 0 : i32
    %dma_wait3A_83 = tpu.memref_slice %arg2[%select_n3A, %add3A_63, %dma_wait3A_82] : memref<16x512x512xf32, #tpu.memory_space<hbm>> -> memref<1x32x512xf32, #tpu.memory_space<hbm>>
    %dma_wait3A_84 = tpu.memref_squeeze %dma_wait3A_83 : memref<1x32x512xf32, #tpu.memory_space<hbm>> -> memref<32x512xf32, #tpu.memory_space<hbm>>
    tpu.wait_dma2 semaphore(%arg12 : memref<!tpu.dma_semaphore, #tpu.memory_space<semaphore_mem>>) src(%dma_wait3A_84 : memref<32x512xf32, #tpu.memory_space<hbm>>) dst(%arg7 : memref<32x512xf32, #tpu.memory_space<vmem>>)
    %dma_wait3A_85 = arith.constant 0 : i32
    %dma_wait3A_86 = tpu.memref_slice %arg3[%select_n3A, %add3A_63, %dma_wait3A_85] : memref<16x512x512xi32, #tpu.memory_space<hbm>> -> memref<1x32x512xi32, #tpu.memory_space<hbm>>
    %dma_wait3A_87 = tpu.memref_squeeze %dma_wait3A_86 : memref<1x32x512xi32, #tpu.memory_space<hbm>> -> memref<32x512xi32, #tpu.memory_space<hbm>>
    %dma_wait3A_88 = arith.constant 0 : i32
    %dma_wait3A_89 = tpu.memref_slice %arg3[%select_n3A, %add3A_63, %dma_wait3A_88] : memref<16x512x512xi32, #tpu.memory_space<hbm>> -> memref<1x32x512xi32, #tpu.memory_space<hbm>>
    %dma_wait3A_90 = tpu.memref_squeeze %dma_wait3A_89 : memref<1x32x512xi32, #tpu.memory_space<hbm>> -> memref<32x512xi32, #tpu.memory_space<hbm>>
    tpu.wait_dma2 semaphore(%arg13 : memref<!tpu.dma_semaphore, #tpu.memory_space<semaphore_mem>>) src(%dma_wait3A_90 : memref<32x512xi32, #tpu.memory_space<hbm>>) dst(%arg8 : memref<32x512xi32, #tpu.memory_space<vmem>>)
    %add3A_91 = arith.constant 64 : i32
    %add3A_92 = arith.addi %mul3A_32, %add3A_91 : i32
    %dma_start3A_93 = arith.constant 0 : i32
    %dma_start3A_94 = tpu.memref_slice %arg2[%select_n3A, %add3A_92, %dma_start3A_93] : memref<16x512x512xf32, #tpu.memory_space<hbm>> -> memref<1x32x512xf32, #tpu.memory_space<hbm>>
    %dma_start3A_95 = tpu.memref_squeeze %dma_start3A_94 : memref<1x32x512xf32, #tpu.memory_space<hbm>> -> memref<32x512xf32, #tpu.memory_space<hbm>>
    %dma_start3A_96 = arith.constant 0 : i32
    %dma_start3A_97 = tpu.memref_slice %arg2[%select_n3A, %add3A_92, %dma_start3A_96] : memref<16x512x512xf32, #tpu.memory_space<hbm>> -> memref<1x32x512xf32, #tpu.memory_space<hbm>>
    %dma_start3A_98 = tpu.memref_squeeze %dma_start3A_97 : memref<1x32x512xf32, #tpu.memory_space<hbm>> -> memref<32x512xf32, #tpu.memory_space<hbm>>
    tpu.enqueue_dma source(%dma_start3A_98 : memref<32x512xf32, #tpu.memory_space<hbm>>) target(%arg5 : memref<32x512xf32, #tpu.memory_space<vmem>>) target_semaphore(%arg10 : memref<!tpu.dma_semaphore, #tpu.memory_space<semaphore_mem>>)
    %dma_start3A_99 = arith.constant 0 : i32
    %dma_start3A_100 = tpu.memref_slice %arg3[%select_n3A, %add3A_92, %dma_start3A_99] : memref<16x512x512xi32, #tpu.memory_space<hbm>> -> memref<1x32x512xi32, #tpu.memory_space<hbm>>
    %dma_start3A_101 = tpu.memref_squeeze %dma_start3A_100 : memref<1x32x512xi32, #tpu.memory_space<hbm>> -> memref<32x512xi32, #tpu.memory_space<hbm>>
    %dma_start3A_102 = arith.constant 0 : i32
    %dma_start3A_103 = tpu.memref_slice %arg3[%select_n3A, %add3A_92, %dma_start3A_102] : memref<16x512x512xi32, #tpu.memory_space<hbm>> -> memref<1x32x512xi32, #tpu.memory_space<hbm>>
    %dma_start3A_104 = tpu.memref_squeeze %dma_start3A_103 : memref<1x32x512xi32, #tpu.memory_space<hbm>> -> memref<32x512xi32, #tpu.memory_space<hbm>>
    tpu.enqueue_dma source(%dma_start3A_104 : memref<32x512xi32, #tpu.memory_space<hbm>>) target(%arg6 : memref<32x512xi32, #tpu.memory_space<vmem>>) target_semaphore(%arg11 : memref<!tpu.dma_semaphore, #tpu.memory_space<semaphore_mem>>)
    %parallel_loop3A_105 = arith.constant 0 : i32
    %parallel_loop3A_106 = arith.constant 1024 : i32
    %parallel_loop3A_107 = arith.constant 1 : i32
    scf.for %parallel_loop3A_272 = %parallel_loop3A_105 to %parallel_loop3A_106 step %parallel_loop3A_107  : i32 {
      %parallel_loop3A_273 = arith.constant 5 : i32
      %parallel_loop3A_274 = arith.shrsi %parallel_loop3A_272, %parallel_loop3A_273 : i32
      %parallel_loop3A_275 = arith.constant 31 : i32
      %parallel_loop3A_276 = arith.andi %parallel_loop3A_272, %parallel_loop3A_275 : i32
      %parallel_loop3A_277 = arith.constant 16 : i32
      %parallel_loop3A_278 = arith.muli %parallel_loop3A_276, %parallel_loop3A_277 : i32
      %parallel_loop3A_279 = arith.index_cast %parallel_loop3A_274 : i32 to index
      %parallel_loop3A_280 = arith.index_cast %parallel_loop3A_278 : i32 to index
      %parallel_loop3A_281 = tpu.vector_load %arg7[%parallel_loop3A_279, %parallel_loop3A_280] {strides = array<i32>} : memref<32x512xf32, #tpu.memory_space<vmem>>, vector<16xf32>,
      %parallel_loop3A_282 = arith.index_cast %parallel_loop3A_274 : i32 to index
      %parallel_loop3A_283 = arith.index_cast %parallel_loop3A_278 : i32 to index
      %parallel_loop3A_284 = tpu.vector_load %arg8[%parallel_loop3A_282, %parallel_loop3A_283] {strides = array<i32>} : memref<32x512xi32, #tpu.memory_space<vmem>>, vector<16xi32>,
      %parallel_loop3A_285 = arith.constant 341.333344 : f32
      %parallel_loop3A_286 = vector.broadcast %parallel_loop3A_285 : f32 to vector<16xf32>
      %parallel_loop3A_287 = arith.mulf %parallel_loop3A_281, %parallel_loop3A_286 : vector<16xf32>
      %parallel_loop3A_288 = arith.constant 0x4B401000 : f32
      %parallel_loop3A_289 = vector.broadcast %parallel_loop3A_288 : f32 to vector<16xf32>
      %parallel_loop3A_290 = arith.addf %parallel_loop3A_287, %parallel_loop3A_289 : vector<16xf32>
      %parallel_loop3A_291 = arith.constant 0x4B400000 : f32
      %parallel_loop3A_292 = vector.broadcast %parallel_loop3A_291 : f32 to vector<16xf32>
      %parallel_loop3A_293 = arith.maximumf %parallel_loop3A_290, %parallel_loop3A_292 : vector<16xf32>
      %parallel_loop3A_294 = arith.constant 0x4B401FFF : f32
      %parallel_loop3A_295 = vector.broadcast %parallel_loop3A_294 : f32 to vector<16xf32>
      %parallel_loop3A_296 = arith.minimumf %parallel_loop3A_293, %parallel_loop3A_295 : vector<16xf32>
      %parallel_loop3A_297 = vector.bitcast %parallel_loop3A_296 : vector<16xf32> to vector<16xi32>
      %parallel_loop3A_298 = arith.constant 7 : i32
      %parallel_loop3A_299 = vector.broadcast %parallel_loop3A_298 : i32 to vector<16xi32>
      %parallel_loop3A_300 = arith.shrsi %parallel_loop3A_297, %parallel_loop3A_299 : vector<16xi32>
      %parallel_loop3A_301 = arith.constant 63 : i32
      %parallel_loop3A_302 = vector.broadcast %parallel_loop3A_301 : i32 to vector<16xi32>
      %parallel_loop3A_303 = arith.andi %parallel_loop3A_300, %parallel_loop3A_302 : vector<16xi32>
      %parallel_loop3A_304 = arith.constant 6 : i32
      %parallel_loop3A_305 = vector.broadcast %parallel_loop3A_304 : i32 to vector<16xi32>
      %parallel_loop3A_306 = arith.shli %parallel_loop3A_284, %parallel_loop3A_305 : vector<16xi32>
      %parallel_loop3A_307 = arith.ori %parallel_loop3A_303, %parallel_loop3A_306 : vector<16xi32>
      %parallel_loop3A_308 = arith.constant 127 : i32
      %parallel_loop3A_309 = vector.broadcast %parallel_loop3A_308 : i32 to vector<16xi32>
      %parallel_loop3A_310 = arith.andi %parallel_loop3A_297, %parallel_loop3A_309 : vector<16xi32>
      tpu.vector_store_idx %arg9[%parallel_loop3A_307, %parallel_loop3A_310], %broadcast_in_dim3A_35 {add = true} : memref<128x128xf32, #tpu.memory_space<vmem>>[vector<16xi32>, vector<16xi32>], vector<16xf32>,
    } {sc.loop_unroll_factor = 4 : i64, sc.parallel_access}
    %dma_wait3A_108 = arith.constant 0 : i32
    %dma_wait3A_109 = tpu.memref_slice %arg2[%select_n3A, %add3A_92, %dma_wait3A_108] : memref<16x512x512xf32, #tpu.memory_space<hbm>> -> memref<1x32x512xf32, #tpu.memory_space<hbm>>
    %dma_wait3A_110 = tpu.memref_squeeze %dma_wait3A_109 : memref<1x32x512xf32, #tpu.memory_space<hbm>> -> memref<32x512xf32, #tpu.memory_space<hbm>>
    %dma_wait3A_111 = arith.constant 0 : i32
    %dma_wait3A_112 = tpu.memref_slice %arg2[%select_n3A, %add3A_92, %dma_wait3A_111] : memref<16x512x512xf32, #tpu.memory_space<hbm>> -> memref<1x32x512xf32, #tpu.memory_space<hbm>>
    %dma_wait3A_113 = tpu.memref_squeeze %dma_wait3A_112 : memref<1x32x512xf32, #tpu.memory_space<hbm>> -> memref<32x512xf32, #tpu.memory_space<hbm>>
    tpu.wait_dma2 semaphore(%arg10 : memref<!tpu.dma_semaphore, #tpu.memory_space<semaphore_mem>>) src(%dma_wait3A_113 : memref<32x512xf32, #tpu.memory_space<hbm>>) dst(%arg5 : memref<32x512xf32, #tpu.memory_space<vmem>>)
    %dma_wait3A_114 = arith.constant 0 : i32
    %dma_wait3A_115 = tpu.memref_slice %arg3[%select_n3A, %add3A_92, %dma_wait3A_114] : memref<16x512x512xi32, #tpu.memory_space<hbm>> -> memref<1x32x512xi32, #tpu.memory_space<hbm>>
    %dma_wait3A_116 = tpu.memref_squeeze %dma_wait3A_115 : memref<1x32x512xi32, #tpu.memory_space<hbm>> -> memref<32x512xi32, #tpu.memory_space<hbm>>
    %dma_wait3A_117 = arith.constant 0 : i32
    %dma_wait3A_118 = tpu.memref_slice %arg3[%select_n3A, %add3A_92, %dma_wait3A_117] : memref<16x512x512xi32, #tpu.memory_space<hbm>> -> memref<1x32x512xi32, #tpu.memory_space<hbm>>
    %dma_wait3A_119 = tpu.memref_squeeze %dma_wait3A_118 : memref<1x32x512xi32, #tpu.memory_space<hbm>> -> memref<32x512xi32, #tpu.memory_space<hbm>>
    tpu.wait_dma2 semaphore(%arg11 : memref<!tpu.dma_semaphore, #tpu.memory_space<semaphore_mem>>) src(%dma_wait3A_119 : memref<32x512xi32, #tpu.memory_space<hbm>>) dst(%arg6 : memref<32x512xi32, #tpu.memory_space<vmem>>)
    %add3A_120 = arith.constant 96 : i32
    %add3A_121 = arith.addi %mul3A_32, %add3A_120 : i32
    %dma_start3A_122 = arith.constant 0 : i32
    %dma_start3A_123 = tpu.memref_slice %arg2[%select_n3A, %add3A_121, %dma_start3A_122] : memref<16x512x512xf32, #tpu.memory_space<hbm>> -> memref<1x32x512xf32, #tpu.memory_space<hbm>>
    %dma_start3A_124 = tpu.memref_squeeze %dma_start3A_123 : memref<1x32x512xf32, #tpu.memory_space<hbm>> -> memref<32x512xf32, #tpu.memory_space<hbm>>
    %dma_start3A_125 = arith.constant 0 : i32
    %dma_start3A_126 = tpu.memref_slice %arg2[%select_n3A, %add3A_121, %dma_start3A_125] : memref<16x512x512xf32, #tpu.memory_space<hbm>> -> memref<1x32x512xf32, #tpu.memory_space<hbm>>
    %dma_start3A_127 = tpu.memref_squeeze %dma_start3A_126 : memref<1x32x512xf32, #tpu.memory_space<hbm>> -> memref<32x512xf32, #tpu.memory_space<hbm>>
    tpu.enqueue_dma source(%dma_start3A_127 : memref<32x512xf32, #tpu.memory_space<hbm>>) target(%arg7 : memref<32x512xf32, #tpu.memory_space<vmem>>) target_semaphore(%arg12 : memref<!tpu.dma_semaphore, #tpu.memory_space<semaphore_mem>>)
    %dma_start3A_128 = arith.constant 0 : i32
    %dma_start3A_129 = tpu.memref_slice %arg3[%select_n3A, %add3A_121, %dma_start3A_128] : memref<16x512x512xi32, #tpu.memory_space<hbm>> -> memref<1x32x512xi32, #tpu.memory_space<hbm>>
    %dma_start3A_130 = tpu.memref_squeeze %dma_start3A_129 : memref<1x32x512xi32, #tpu.memory_space<hbm>> -> memref<32x512xi32, #tpu.memory_space<hbm>>
    %dma_start3A_131 = arith.constant 0 : i32
    %dma_start3A_132 = tpu.memref_slice %arg3[%select_n3A, %add3A_121, %dma_start3A_131] : memref<16x512x512xi32, #tpu.memory_space<hbm>> -> memref<1x32x512xi32, #tpu.memory_space<hbm>>
    %dma_start3A_133 = tpu.memref_squeeze %dma_start3A_132 : memref<1x32x512xi32, #tpu.memory_space<hbm>> -> memref<32x512xi32, #tpu.memory_space<hbm>>
    tpu.enqueue_dma source(%dma_start3A_133 : memref<32x512xi32, #tpu.memory_space<hbm>>) target(%arg8 : memref<32x512xi32, #tpu.memory_space<vmem>>) target_semaphore(%arg13 : memref<!tpu.dma_semaphore, #tpu.memory_space<semaphore_mem>>)
    %parallel_loop3A_134 = arith.constant 0 : i32
    %parallel_loop3A_135 = arith.constant 1024 : i32
    %parallel_loop3A_136 = arith.constant 1 : i32
    scf.for %parallel_loop3A_272 = %parallel_loop3A_134 to %parallel_loop3A_135 step %parallel_loop3A_136  : i32 {
      %parallel_loop3A_273 = arith.constant 5 : i32
      %parallel_loop3A_274 = arith.shrsi %parallel_loop3A_272, %parallel_loop3A_273 : i32
      %parallel_loop3A_275 = arith.constant 31 : i32
      %parallel_loop3A_276 = arith.andi %parallel_loop3A_272, %parallel_loop3A_275 : i32
      %parallel_loop3A_277 = arith.constant 16 : i32
      %parallel_loop3A_278 = arith.muli %parallel_loop3A_276, %parallel_loop3A_277 : i32
      %parallel_loop3A_279 = arith.index_cast %parallel_loop3A_274 : i32 to index
      %parallel_loop3A_280 = arith.index_cast %parallel_loop3A_278 : i32 to index
      %parallel_loop3A_281 = tpu.vector_load %arg5[%parallel_loop3A_279, %parallel_loop3A_280] {strides = array<i32>} : memref<32x512xf32, #tpu.memory_space<vmem>>, vector<16xf32>,
      %parallel_loop3A_282 = arith.index_cast %parallel_loop3A_274 : i32 to index
      %parallel_loop3A_283 = arith.index_cast %parallel_loop3A_278 : i32 to index
      %parallel_loop3A_284 = tpu.vector_load %arg6[%parallel_loop3A_282, %parallel_loop3A_283] {strides = array<i32>} : memref<32x512xi32, #tpu.memory_space<vmem>>, vector<16xi32>,
      %parallel_loop3A_285 = arith.constant 341.333344 : f32
      %parallel_loop3A_286 = vector.broadcast %parallel_loop3A_285 : f32 to vector<16xf32>
      %parallel_loop3A_287 = arith.mulf %parallel_loop3A_281, %parallel_loop3A_286 : vector<16xf32>
      %parallel_loop3A_288 = arith.constant 0x4B401000 : f32
      %parallel_loop3A_289 = vector.broadcast %parallel_loop3A_288 : f32 to vector<16xf32>
      %parallel_loop3A_290 = arith.addf %parallel_loop3A_287, %parallel_loop3A_289 : vector<16xf32>
      %parallel_loop3A_291 = arith.constant 0x4B400000 : f32
      %parallel_loop3A_292 = vector.broadcast %parallel_loop3A_291 : f32 to vector<16xf32>
      %parallel_loop3A_293 = arith.maximumf %parallel_loop3A_290, %parallel_loop3A_292 : vector<16xf32>
      %parallel_loop3A_294 = arith.constant 0x4B401FFF : f32
      %parallel_loop3A_295 = vector.broadcast %parallel_loop3A_294 : f32 to vector<16xf32>
      %parallel_loop3A_296 = arith.minimumf %parallel_loop3A_293, %parallel_loop3A_295 : vector<16xf32>
      %parallel_loop3A_297 = vector.bitcast %parallel_loop3A_296 : vector<16xf32> to vector<16xi32>
      %parallel_loop3A_298 = arith.constant 7 : i32
      %parallel_loop3A_299 = vector.broadcast %parallel_loop3A_298 : i32 to vector<16xi32>
      %parallel_loop3A_300 = arith.shrsi %parallel_loop3A_297, %parallel_loop3A_299 : vector<16xi32>
      %parallel_loop3A_301 = arith.constant 63 : i32
      %parallel_loop3A_302 = vector.broadcast %parallel_loop3A_301 : i32 to vector<16xi32>
      %parallel_loop3A_303 = arith.andi %parallel_loop3A_300, %parallel_loop3A_302 : vector<16xi32>
      %parallel_loop3A_304 = arith.constant 6 : i32
      %parallel_loop3A_305 = vector.broadcast %parallel_loop3A_304 : i32 to vector<16xi32>
      %parallel_loop3A_306 = arith.shli %parallel_loop3A_284, %parallel_loop3A_305 : vector<16xi32>
      %parallel_loop3A_307 = arith.ori %parallel_loop3A_303, %parallel_loop3A_306 : vector<16xi32>
      %parallel_loop3A_308 = arith.constant 127 : i32
      %parallel_loop3A_309 = vector.broadcast %parallel_loop3A_308 : i32 to vector<16xi32>
      %parallel_loop3A_310 = arith.andi %parallel_loop3A_297, %parallel_loop3A_309 : vector<16xi32>
      tpu.vector_store_idx %arg9[%parallel_loop3A_307, %parallel_loop3A_310], %broadcast_in_dim3A_35 {add = true} : memref<128x128xf32, #tpu.memory_space<vmem>>[vector<16xi32>, vector<16xi32>], vector<16xf32>,
    } {sc.loop_unroll_factor = 4 : i64, sc.parallel_access}
    %dma_wait3A_137 = arith.constant 0 : i32
    %dma_wait3A_138 = tpu.memref_slice %arg2[%select_n3A, %add3A_121, %dma_wait3A_137] : memref<16x512x512xf32, #tpu.memory_space<hbm>> -> memref<1x32x512xf32, #tpu.memory_space<hbm>>
    %dma_wait3A_139 = tpu.memref_squeeze %dma_wait3A_138 : memref<1x32x512xf32, #tpu.memory_space<hbm>> -> memref<32x512xf32, #tpu.memory_space<hbm>>
    %dma_wait3A_140 = arith.constant 0 : i32
    %dma_wait3A_141 = tpu.memref_slice %arg2[%select_n3A, %add3A_121, %dma_wait3A_140] : memref<16x512x512xf32, #tpu.memory_space<hbm>> -> memref<1x32x512xf32, #tpu.memory_space<hbm>>
    %dma_wait3A_142 = tpu.memref_squeeze %dma_wait3A_141 : memref<1x32x512xf32, #tpu.memory_space<hbm>> -> memref<32x512xf32, #tpu.memory_space<hbm>>
    tpu.wait_dma2 semaphore(%arg12 : memref<!tpu.dma_semaphore, #tpu.memory_space<semaphore_mem>>) src(%dma_wait3A_142 : memref<32x512xf32, #tpu.memory_space<hbm>>) dst(%arg7 : memref<32x512xf32, #tpu.memory_space<vmem>>)
    %dma_wait3A_143 = arith.constant 0 : i32
    %dma_wait3A_144 = tpu.memref_slice %arg3[%select_n3A, %add3A_121, %dma_wait3A_143] : memref<16x512x512xi32, #tpu.memory_space<hbm>> -> memref<1x32x512xi32, #tpu.memory_space<hbm>>
    %dma_wait3A_145 = tpu.memref_squeeze %dma_wait3A_144 : memref<1x32x512xi32, #tpu.memory_space<hbm>> -> memref<32x512xi32, #tpu.memory_space<hbm>>
    %dma_wait3A_146 = arith.constant 0 : i32
    %dma_wait3A_147 = tpu.memref_slice %arg3[%select_n3A, %add3A_121, %dma_wait3A_146] : memref<16x512x512xi32, #tpu.memory_space<hbm>> -> memref<1x32x512xi32, #tpu.memory_space<hbm>>
    %dma_wait3A_148 = tpu.memref_squeeze %dma_wait3A_147 : memref<1x32x512xi32, #tpu.memory_space<hbm>> -> memref<32x512xi32, #tpu.memory_space<hbm>>
    tpu.wait_dma2 semaphore(%arg13 : memref<!tpu.dma_semaphore, #tpu.memory_space<semaphore_mem>>) src(%dma_wait3A_148 : memref<32x512xi32, #tpu.memory_space<hbm>>) dst(%arg8 : memref<32x512xi32, #tpu.memory_space<vmem>>)
    %add3A_149 = arith.constant 128 : i32
    %add3A_150 = arith.addi %mul3A_32, %add3A_149 : i32
    %dma_start3A_151 = arith.constant 0 : i32
    %dma_start3A_152 = tpu.memref_slice %arg2[%select_n3A, %add3A_150, %dma_start3A_151] : memref<16x512x512xf32, #tpu.memory_space<hbm>> -> memref<1x32x512xf32, #tpu.memory_space<hbm>>
    %dma_start3A_153 = tpu.memref_squeeze %dma_start3A_152 : memref<1x32x512xf32, #tpu.memory_space<hbm>> -> memref<32x512xf32, #tpu.memory_space<hbm>>
    %dma_start3A_154 = arith.constant 0 : i32
    %dma_start3A_155 = tpu.memref_slice %arg2[%select_n3A, %add3A_150, %dma_start3A_154] : memref<16x512x512xf32, #tpu.memory_space<hbm>> -> memref<1x32x512xf32, #tpu.memory_space<hbm>>
    %dma_start3A_156 = tpu.memref_squeeze %dma_start3A_155 : memref<1x32x512xf32, #tpu.memory_space<hbm>> -> memref<32x512xf32, #tpu.memory_space<hbm>>
    tpu.enqueue_dma source(%dma_start3A_156 : memref<32x512xf32, #tpu.memory_space<hbm>>) target(%arg5 : memref<32x512xf32, #tpu.memory_space<vmem>>) target_semaphore(%arg10 : memref<!tpu.dma_semaphore, #tpu.memory_space<semaphore_mem>>)
    %dma_start3A_157 = arith.constant 0 : i32
    %dma_start3A_158 = tpu.memref_slice %arg3[%select_n3A, %add3A_150, %dma_start3A_157] : memref<16x512x512xi32, #tpu.memory_space<hbm>> -> memref<1x32x512xi32, #tpu.memory_space<hbm>>
    %dma_start3A_159 = tpu.memref_squeeze %dma_start3A_158 : memref<1x32x512xi32, #tpu.memory_space<hbm>> -> memref<32x512xi32, #tpu.memory_space<hbm>>
    %dma_start3A_160 = arith.constant 0 : i32
    %dma_start3A_161 = tpu.memref_slice %arg3[%select_n3A, %add3A_150, %dma_start3A_160] : memref<16x512x512xi32, #tpu.memory_space<hbm>> -> memref<1x32x512xi32, #tpu.memory_space<hbm>>
    %dma_start3A_162 = tpu.memref_squeeze %dma_start3A_161 : memref<1x32x512xi32, #tpu.memory_space<hbm>> -> memref<32x512xi32, #tpu.memory_space<hbm>>
    tpu.enqueue_dma source(%dma_start3A_162 : memref<32x512xi32, #tpu.memory_space<hbm>>) target(%arg6 : memref<32x512xi32, #tpu.memory_space<vmem>>) target_semaphore(%arg11 : memref<!tpu.dma_semaphore, #tpu.memory_space<semaphore_mem>>)
    %parallel_loop3A_163 = arith.constant 0 : i32
    %parallel_loop3A_164 = arith.constant 1024 : i32
    %parallel_loop3A_165 = arith.constant 1 : i32
    scf.for %parallel_loop3A_272 = %parallel_loop3A_163 to %parallel_loop3A_164 step %parallel_loop3A_165  : i32 {
      %parallel_loop3A_273 = arith.constant 5 : i32
      %parallel_loop3A_274 = arith.shrsi %parallel_loop3A_272, %parallel_loop3A_273 : i32
      %parallel_loop3A_275 = arith.constant 31 : i32
      %parallel_loop3A_276 = arith.andi %parallel_loop3A_272, %parallel_loop3A_275 : i32
      %parallel_loop3A_277 = arith.constant 16 : i32
      %parallel_loop3A_278 = arith.muli %parallel_loop3A_276, %parallel_loop3A_277 : i32
      %parallel_loop3A_279 = arith.index_cast %parallel_loop3A_274 : i32 to index
      %parallel_loop3A_280 = arith.index_cast %parallel_loop3A_278 : i32 to index
      %parallel_loop3A_281 = tpu.vector_load %arg7[%parallel_loop3A_279, %parallel_loop3A_280] {strides = array<i32>} : memref<32x512xf32, #tpu.memory_space<vmem>>, vector<16xf32>,
      %parallel_loop3A_282 = arith.index_cast %parallel_loop3A_274 : i32 to index
      %parallel_loop3A_283 = arith.index_cast %parallel_loop3A_278 : i32 to index
      %parallel_loop3A_284 = tpu.vector_load %arg8[%parallel_loop3A_282, %parallel_loop3A_283] {strides = array<i32>} : memref<32x512xi32, #tpu.memory_space<vmem>>, vector<16xi32>,
      %parallel_loop3A_285 = arith.constant 341.333344 : f32
      %parallel_loop3A_286 = vector.broadcast %parallel_loop3A_285 : f32 to vector<16xf32>
      %parallel_loop3A_287 = arith.mulf %parallel_loop3A_281, %parallel_loop3A_286 : vector<16xf32>
      %parallel_loop3A_288 = arith.constant 0x4B401000 : f32
      %parallel_loop3A_289 = vector.broadcast %parallel_loop3A_288 : f32 to vector<16xf32>
      %parallel_loop3A_290 = arith.addf %parallel_loop3A_287, %parallel_loop3A_289 : vector<16xf32>
      %parallel_loop3A_291 = arith.constant 0x4B400000 : f32
      %parallel_loop3A_292 = vector.broadcast %parallel_loop3A_291 : f32 to vector<16xf32>
      %parallel_loop3A_293 = arith.maximumf %parallel_loop3A_290, %parallel_loop3A_292 : vector<16xf32>
      %parallel_loop3A_294 = arith.constant 0x4B401FFF : f32
      %parallel_loop3A_295 = vector.broadcast %parallel_loop3A_294 : f32 to vector<16xf32>
      %parallel_loop3A_296 = arith.minimumf %parallel_loop3A_293, %parallel_loop3A_295 : vector<16xf32>
      %parallel_loop3A_297 = vector.bitcast %parallel_loop3A_296 : vector<16xf32> to vector<16xi32>
      %parallel_loop3A_298 = arith.constant 7 : i32
      %parallel_loop3A_299 = vector.broadcast %parallel_loop3A_298 : i32 to vector<16xi32>
      %parallel_loop3A_300 = arith.shrsi %parallel_loop3A_297, %parallel_loop3A_299 : vector<16xi32>
      %parallel_loop3A_301 = arith.constant 63 : i32
      %parallel_loop3A_302 = vector.broadcast %parallel_loop3A_301 : i32 to vector<16xi32>
      %parallel_loop3A_303 = arith.andi %parallel_loop3A_300, %parallel_loop3A_302 : vector<16xi32>
      %parallel_loop3A_304 = arith.constant 6 : i32
      %parallel_loop3A_305 = vector.broadcast %parallel_loop3A_304 : i32 to vector<16xi32>
      %parallel_loop3A_306 = arith.shli %parallel_loop3A_284, %parallel_loop3A_305 : vector<16xi32>
      %parallel_loop3A_307 = arith.ori %parallel_loop3A_303, %parallel_loop3A_306 : vector<16xi32>
      %parallel_loop3A_308 = arith.constant 127 : i32
      %parallel_loop3A_309 = vector.broadcast %parallel_loop3A_308 : i32 to vector<16xi32>
      %parallel_loop3A_310 = arith.andi %parallel_loop3A_297, %parallel_loop3A_309 : vector<16xi32>
      tpu.vector_store_idx %arg9[%parallel_loop3A_307, %parallel_loop3A_310], %broadcast_in_dim3A_35 {add = true} : memref<128x128xf32, #tpu.memory_space<vmem>>[vector<16xi32>, vector<16xi32>], vector<16xf32>,
    } {sc.loop_unroll_factor = 4 : i64, sc.parallel_access}
    %dma_wait3A_166 = arith.constant 0 : i32
    %dma_wait3A_167 = tpu.memref_slice %arg2[%select_n3A, %add3A_150, %dma_wait3A_166] : memref<16x512x512xf32, #tpu.memory_space<hbm>> -> memref<1x32x512xf32, #tpu.memory_space<hbm>>
    %dma_wait3A_168 = tpu.memref_squeeze %dma_wait3A_167 : memref<1x32x512xf32, #tpu.memory_space<hbm>> -> memref<32x512xf32, #tpu.memory_space<hbm>>
    %dma_wait3A_169 = arith.constant 0 : i32
    %dma_wait3A_170 = tpu.memref_slice %arg2[%select_n3A, %add3A_150, %dma_wait3A_169] : memref<16x512x512xf32, #tpu.memory_space<hbm>> -> memref<1x32x512xf32, #tpu.memory_space<hbm>>
    %dma_wait3A_171 = tpu.memref_squeeze %dma_wait3A_170 : memref<1x32x512xf32, #tpu.memory_space<hbm>> -> memref<32x512xf32, #tpu.memory_space<hbm>>
    tpu.wait_dma2 semaphore(%arg10 : memref<!tpu.dma_semaphore, #tpu.memory_space<semaphore_mem>>) src(%dma_wait3A_171 : memref<32x512xf32, #tpu.memory_space<hbm>>) dst(%arg5 : memref<32x512xf32, #tpu.memory_space<vmem>>)
    %dma_wait3A_172 = arith.constant 0 : i32
    %dma_wait3A_173 = tpu.memref_slice %arg3[%select_n3A, %add3A_150, %dma_wait3A_172] : memref<16x512x512xi32, #tpu.memory_space<hbm>> -> memref<1x32x512xi32, #tpu.memory_space<hbm>>
    %dma_wait3A_174 = tpu.memref_squeeze %dma_wait3A_173 : memref<1x32x512xi32, #tpu.memory_space<hbm>> -> memref<32x512xi32, #tpu.memory_space<hbm>>
    %dma_wait3A_175 = arith.constant 0 : i32
    %dma_wait3A_176 = tpu.memref_slice %arg3[%select_n3A, %add3A_150, %dma_wait3A_175] : memref<16x512x512xi32, #tpu.memory_space<hbm>> -> memref<1x32x512xi32, #tpu.memory_space<hbm>>
    %dma_wait3A_177 = tpu.memref_squeeze %dma_wait3A_176 : memref<1x32x512xi32, #tpu.memory_space<hbm>> -> memref<32x512xi32, #tpu.memory_space<hbm>>
    tpu.wait_dma2 semaphore(%arg11 : memref<!tpu.dma_semaphore, #tpu.memory_space<semaphore_mem>>) src(%dma_wait3A_177 : memref<32x512xi32, #tpu.memory_space<hbm>>) dst(%arg6 : memref<32x512xi32, #tpu.memory_space<vmem>>)
    %add3A_178 = arith.constant 160 : i32
    %add3A_179 = arith.addi %mul3A_32, %add3A_178 : i32
    %dma_start3A_180 = arith.constant 0 : i32
    %dma_start3A_181 = tpu.memref_slice %arg2[%select_n3A, %add3A_179, %dma_start3A_180] : memref<16x512x512xf32, #tpu.memory_space<hbm>> -> memref<1x32x512xf32, #tpu.memory_space<hbm>>
    %dma_start3A_182 = tpu.memref_squeeze %dma_start3A_181 : memref<1x32x512xf32, #tpu.memory_space<hbm>> -> memref<32x512xf32, #tpu.memory_space<hbm>>
    %dma_start3A_183 = arith.constant 0 : i32
    %dma_start3A_184 = tpu.memref_slice %arg2[%select_n3A, %add3A_179, %dma_start3A_183] : memref<16x512x512xf32, #tpu.memory_space<hbm>> -> memref<1x32x512xf32, #tpu.memory_space<hbm>>
    %dma_start3A_185 = tpu.memref_squeeze %dma_start3A_184 : memref<1x32x512xf32, #tpu.memory_space<hbm>> -> memref<32x512xf32, #tpu.memory_space<hbm>>
    tpu.enqueue_dma source(%dma_start3A_185 : memref<32x512xf32, #tpu.memory_space<hbm>>) target(%arg7 : memref<32x512xf32, #tpu.memory_space<vmem>>) target_semaphore(%arg12 : memref<!tpu.dma_semaphore, #tpu.memory_space<semaphore_mem>>)
    %dma_start3A_186 = arith.constant 0 : i32
    %dma_start3A_187 = tpu.memref_slice %arg3[%select_n3A, %add3A_179, %dma_start3A_186] : memref<16x512x512xi32, #tpu.memory_space<hbm>> -> memref<1x32x512xi32, #tpu.memory_space<hbm>>
    %dma_start3A_188 = tpu.memref_squeeze %dma_start3A_187 : memref<1x32x512xi32, #tpu.memory_space<hbm>> -> memref<32x512xi32, #tpu.memory_space<hbm>>
    %dma_start3A_189 = arith.constant 0 : i32
    %dma_start3A_190 = tpu.memref_slice %arg3[%select_n3A, %add3A_179, %dma_start3A_189] : memref<16x512x512xi32, #tpu.memory_space<hbm>> -> memref<1x32x512xi32, #tpu.memory_space<hbm>>
    %dma_start3A_191 = tpu.memref_squeeze %dma_start3A_190 : memref<1x32x512xi32, #tpu.memory_space<hbm>> -> memref<32x512xi32, #tpu.memory_space<hbm>>
    tpu.enqueue_dma source(%dma_start3A_191 : memref<32x512xi32, #tpu.memory_space<hbm>>) target(%arg8 : memref<32x512xi32, #tpu.memory_space<vmem>>) target_semaphore(%arg13 : memref<!tpu.dma_semaphore, #tpu.memory_space<semaphore_mem>>)
    %parallel_loop3A_192 = arith.constant 0 : i32
    %parallel_loop3A_193 = arith.constant 1024 : i32
    %parallel_loop3A_194 = arith.constant 1 : i32
    scf.for %parallel_loop3A_272 = %parallel_loop3A_192 to %parallel_loop3A_193 step %parallel_loop3A_194  : i32 {
      %parallel_loop3A_273 = arith.constant 5 : i32
      %parallel_loop3A_274 = arith.shrsi %parallel_loop3A_272, %parallel_loop3A_273 : i32
      %parallel_loop3A_275 = arith.constant 31 : i32
      %parallel_loop3A_276 = arith.andi %parallel_loop3A_272, %parallel_loop3A_275 : i32
      %parallel_loop3A_277 = arith.constant 16 : i32
      %parallel_loop3A_278 = arith.muli %parallel_loop3A_276, %parallel_loop3A_277 : i32
      %parallel_loop3A_279 = arith.index_cast %parallel_loop3A_274 : i32 to index
      %parallel_loop3A_280 = arith.index_cast %parallel_loop3A_278 : i32 to index
      %parallel_loop3A_281 = tpu.vector_load %arg5[%parallel_loop3A_279, %parallel_loop3A_280] {strides = array<i32>} : memref<32x512xf32, #tpu.memory_space<vmem>>, vector<16xf32>,
      %parallel_loop3A_282 = arith.index_cast %parallel_loop3A_274 : i32 to index
      %parallel_loop3A_283 = arith.index_cast %parallel_loop3A_278 : i32 to index
      %parallel_loop3A_284 = tpu.vector_load %arg6[%parallel_loop3A_282, %parallel_loop3A_283] {strides = array<i32>} : memref<32x512xi32, #tpu.memory_space<vmem>>, vector<16xi32>,
      %parallel_loop3A_285 = arith.constant 341.333344 : f32
      %parallel_loop3A_286 = vector.broadcast %parallel_loop3A_285 : f32 to vector<16xf32>
      %parallel_loop3A_287 = arith.mulf %parallel_loop3A_281, %parallel_loop3A_286 : vector<16xf32>
      %parallel_loop3A_288 = arith.constant 0x4B401000 : f32
      %parallel_loop3A_289 = vector.broadcast %parallel_loop3A_288 : f32 to vector<16xf32>
      %parallel_loop3A_290 = arith.addf %parallel_loop3A_287, %parallel_loop3A_289 : vector<16xf32>
      %parallel_loop3A_291 = arith.constant 0x4B400000 : f32
      %parallel_loop3A_292 = vector.broadcast %parallel_loop3A_291 : f32 to vector<16xf32>
      %parallel_loop3A_293 = arith.maximumf %parallel_loop3A_290, %parallel_loop3A_292 : vector<16xf32>
      %parallel_loop3A_294 = arith.constant 0x4B401FFF : f32
      %parallel_loop3A_295 = vector.broadcast %parallel_loop3A_294 : f32 to vector<16xf32>
      %parallel_loop3A_296 = arith.minimumf %parallel_loop3A_293, %parallel_loop3A_295 : vector<16xf32>
      %parallel_loop3A_297 = vector.bitcast %parallel_loop3A_296 : vector<16xf32> to vector<16xi32>
      %parallel_loop3A_298 = arith.constant 7 : i32
      %parallel_loop3A_299 = vector.broadcast %parallel_loop3A_298 : i32 to vector<16xi32>
      %parallel_loop3A_300 = arith.shrsi %parallel_loop3A_297, %parallel_loop3A_299 : vector<16xi32>
      %parallel_loop3A_301 = arith.constant 63 : i32
      %parallel_loop3A_302 = vector.broadcast %parallel_loop3A_301 : i32 to vector<16xi32>
      %parallel_loop3A_303 = arith.andi %parallel_loop3A_300, %parallel_loop3A_302 : vector<16xi32>
      %parallel_loop3A_304 = arith.constant 6 : i32
      %parallel_loop3A_305 = vector.broadcast %parallel_loop3A_304 : i32 to vector<16xi32>
      %parallel_loop3A_306 = arith.shli %parallel_loop3A_284, %parallel_loop3A_305 : vector<16xi32>
      %parallel_loop3A_307 = arith.ori %parallel_loop3A_303, %parallel_loop3A_306 : vector<16xi32>
      %parallel_loop3A_308 = arith.constant 127 : i32
      %parallel_loop3A_309 = vector.broadcast %parallel_loop3A_308 : i32 to vector<16xi32>
      %parallel_loop3A_310 = arith.andi %parallel_loop3A_297, %parallel_loop3A_309 : vector<16xi32>
      tpu.vector_store_idx %arg9[%parallel_loop3A_307, %parallel_loop3A_310], %broadcast_in_dim3A_35 {add = true} : memref<128x128xf32, #tpu.memory_space<vmem>>[vector<16xi32>, vector<16xi32>], vector<16xf32>,
    } {sc.loop_unroll_factor = 4 : i64, sc.parallel_access}
    %dma_wait3A_195 = arith.constant 0 : i32
    %dma_wait3A_196 = tpu.memref_slice %arg2[%select_n3A, %add3A_179, %dma_wait3A_195] : memref<16x512x512xf32, #tpu.memory_space<hbm>> -> memref<1x32x512xf32, #tpu.memory_space<hbm>>
    %dma_wait3A_197 = tpu.memref_squeeze %dma_wait3A_196 : memref<1x32x512xf32, #tpu.memory_space<hbm>> -> memref<32x512xf32, #tpu.memory_space<hbm>>
    %dma_wait3A_198 = arith.constant 0 : i32
    %dma_wait3A_199 = tpu.memref_slice %arg2[%select_n3A, %add3A_179, %dma_wait3A_198] : memref<16x512x512xf32, #tpu.memory_space<hbm>> -> memref<1x32x512xf32, #tpu.memory_space<hbm>>
    %dma_wait3A_200 = tpu.memref_squeeze %dma_wait3A_199 : memref<1x32x512xf32, #tpu.memory_space<hbm>> -> memref<32x512xf32, #tpu.memory_space<hbm>>
    tpu.wait_dma2 semaphore(%arg12 : memref<!tpu.dma_semaphore, #tpu.memory_space<semaphore_mem>>) src(%dma_wait3A_200 : memref<32x512xf32, #tpu.memory_space<hbm>>) dst(%arg7 : memref<32x512xf32, #tpu.memory_space<vmem>>)
    %dma_wait3A_201 = arith.constant 0 : i32
    %dma_wait3A_202 = tpu.memref_slice %arg3[%select_n3A, %add3A_179, %dma_wait3A_201] : memref<16x512x512xi32, #tpu.memory_space<hbm>> -> memref<1x32x512xi32, #tpu.memory_space<hbm>>
    %dma_wait3A_203 = tpu.memref_squeeze %dma_wait3A_202 : memref<1x32x512xi32, #tpu.memory_space<hbm>> -> memref<32x512xi32, #tpu.memory_space<hbm>>
    %dma_wait3A_204 = arith.constant 0 : i32
    %dma_wait3A_205 = tpu.memref_slice %arg3[%select_n3A, %add3A_179, %dma_wait3A_204] : memref<16x512x512xi32, #tpu.memory_space<hbm>> -> memref<1x32x512xi32, #tpu.memory_space<hbm>>
    %dma_wait3A_206 = tpu.memref_squeeze %dma_wait3A_205 : memref<1x32x512xi32, #tpu.memory_space<hbm>> -> memref<32x512xi32, #tpu.memory_space<hbm>>
    tpu.wait_dma2 semaphore(%arg13 : memref<!tpu.dma_semaphore, #tpu.memory_space<semaphore_mem>>) src(%dma_wait3A_206 : memref<32x512xi32, #tpu.memory_space<hbm>>) dst(%arg8 : memref<32x512xi32, #tpu.memory_space<vmem>>)
    %add3A_207 = arith.constant 192 : i32
    %add3A_208 = arith.addi %mul3A_32, %add3A_207 : i32
    %dma_start3A_209 = arith.constant 0 : i32
    %dma_start3A_210 = tpu.memref_slice %arg2[%select_n3A, %add3A_208, %dma_start3A_209] : memref<16x512x512xf32, #tpu.memory_space<hbm>> -> memref<1x32x512xf32, #tpu.memory_space<hbm>>
    %dma_start3A_211 = tpu.memref_squeeze %dma_start3A_210 : memref<1x32x512xf32, #tpu.memory_space<hbm>> -> memref<32x512xf32, #tpu.memory_space<hbm>>
    %dma_start3A_212 = arith.constant 0 : i32
    %dma_start3A_213 = tpu.memref_slice %arg2[%select_n3A, %add3A_208, %dma_start3A_212] : memref<16x512x512xf32, #tpu.memory_space<hbm>> -> memref<1x32x512xf32, #tpu.memory_space<hbm>>
    %dma_start3A_214 = tpu.memref_squeeze %dma_start3A_213 : memref<1x32x512xf32, #tpu.memory_space<hbm>> -> memref<32x512xf32, #tpu.memory_space<hbm>>
    tpu.enqueue_dma source(%dma_start3A_214 : memref<32x512xf32, #tpu.memory_space<hbm>>) target(%arg5 : memref<32x512xf32, #tpu.memory_space<vmem>>) target_semaphore(%arg10 : memref<!tpu.dma_semaphore, #tpu.memory_space<semaphore_mem>>)
    %dma_start3A_215 = arith.constant 0 : i32
    %dma_start3A_216 = tpu.memref_slice %arg3[%select_n3A, %add3A_208, %dma_start3A_215] : memref<16x512x512xi32, #tpu.memory_space<hbm>> -> memref<1x32x512xi32, #tpu.memory_space<hbm>>
    %dma_start3A_217 = tpu.memref_squeeze %dma_start3A_216 : memref<1x32x512xi32, #tpu.memory_space<hbm>> -> memref<32x512xi32, #tpu.memory_space<hbm>>
    %dma_start3A_218 = arith.constant 0 : i32
    %dma_start3A_219 = tpu.memref_slice %arg3[%select_n3A, %add3A_208, %dma_start3A_218] : memref<16x512x512xi32, #tpu.memory_space<hbm>> -> memref<1x32x512xi32, #tpu.memory_space<hbm>>
    %dma_start3A_220 = tpu.memref_squeeze %dma_start3A_219 : memref<1x32x512xi32, #tpu.memory_space<hbm>> -> memref<32x512xi32, #tpu.memory_space<hbm>>
    tpu.enqueue_dma source(%dma_start3A_220 : memref<32x512xi32, #tpu.memory_space<hbm>>) target(%arg6 : memref<32x512xi32, #tpu.memory_space<vmem>>) target_semaphore(%arg11 : memref<!tpu.dma_semaphore, #tpu.memory_space<semaphore_mem>>)
    %parallel_loop3A_221 = arith.constant 0 : i32
    %parallel_loop3A_222 = arith.constant 1024 : i32
    %parallel_loop3A_223 = arith.constant 1 : i32
    scf.for %parallel_loop3A_272 = %parallel_loop3A_221 to %parallel_loop3A_222 step %parallel_loop3A_223  : i32 {
      %parallel_loop3A_273 = arith.constant 5 : i32
      %parallel_loop3A_274 = arith.shrsi %parallel_loop3A_272, %parallel_loop3A_273 : i32
      %parallel_loop3A_275 = arith.constant 31 : i32
      %parallel_loop3A_276 = arith.andi %parallel_loop3A_272, %parallel_loop3A_275 : i32
      %parallel_loop3A_277 = arith.constant 16 : i32
      %parallel_loop3A_278 = arith.muli %parallel_loop3A_276, %parallel_loop3A_277 : i32
      %parallel_loop3A_279 = arith.index_cast %parallel_loop3A_274 : i32 to index
      %parallel_loop3A_280 = arith.index_cast %parallel_loop3A_278 : i32 to index
      %parallel_loop3A_281 = tpu.vector_load %arg7[%parallel_loop3A_279, %parallel_loop3A_280] {strides = array<i32>} : memref<32x512xf32, #tpu.memory_space<vmem>>, vector<16xf32>,
      %parallel_loop3A_282 = arith.index_cast %parallel_loop3A_274 : i32 to index
      %parallel_loop3A_283 = arith.index_cast %parallel_loop3A_278 : i32 to index
      %parallel_loop3A_284 = tpu.vector_load %arg8[%parallel_loop3A_282, %parallel_loop3A_283] {strides = array<i32>} : memref<32x512xi32, #tpu.memory_space<vmem>>, vector<16xi32>,
      %parallel_loop3A_285 = arith.constant 341.333344 : f32
      %parallel_loop3A_286 = vector.broadcast %parallel_loop3A_285 : f32 to vector<16xf32>
      %parallel_loop3A_287 = arith.mulf %parallel_loop3A_281, %parallel_loop3A_286 : vector<16xf32>
      %parallel_loop3A_288 = arith.constant 0x4B401000 : f32
      %parallel_loop3A_289 = vector.broadcast %parallel_loop3A_288 : f32 to vector<16xf32>
      %parallel_loop3A_290 = arith.addf %parallel_loop3A_287, %parallel_loop3A_289 : vector<16xf32>
      %parallel_loop3A_291 = arith.constant 0x4B400000 : f32
      %parallel_loop3A_292 = vector.broadcast %parallel_loop3A_291 : f32 to vector<16xf32>
      %parallel_loop3A_293 = arith.maximumf %parallel_loop3A_290, %parallel_loop3A_292 : vector<16xf32>
      %parallel_loop3A_294 = arith.constant 0x4B401FFF : f32
      %parallel_loop3A_295 = vector.broadcast %parallel_loop3A_294 : f32 to vector<16xf32>
      %parallel_loop3A_296 = arith.minimumf %parallel_loop3A_293, %parallel_loop3A_295 : vector<16xf32>
      %parallel_loop3A_297 = vector.bitcast %parallel_loop3A_296 : vector<16xf32> to vector<16xi32>
      %parallel_loop3A_298 = arith.constant 7 : i32
      %parallel_loop3A_299 = vector.broadcast %parallel_loop3A_298 : i32 to vector<16xi32>
      %parallel_loop3A_300 = arith.shrsi %parallel_loop3A_297, %parallel_loop3A_299 : vector<16xi32>
      %parallel_loop3A_301 = arith.constant 63 : i32
      %parallel_loop3A_302 = vector.broadcast %parallel_loop3A_301 : i32 to vector<16xi32>
      %parallel_loop3A_303 = arith.andi %parallel_loop3A_300, %parallel_loop3A_302 : vector<16xi32>
      %parallel_loop3A_304 = arith.constant 6 : i32
      %parallel_loop3A_305 = vector.broadcast %parallel_loop3A_304 : i32 to vector<16xi32>
      %parallel_loop3A_306 = arith.shli %parallel_loop3A_284, %parallel_loop3A_305 : vector<16xi32>
      %parallel_loop3A_307 = arith.ori %parallel_loop3A_303, %parallel_loop3A_306 : vector<16xi32>
      %parallel_loop3A_308 = arith.constant 127 : i32
      %parallel_loop3A_309 = vector.broadcast %parallel_loop3A_308 : i32 to vector<16xi32>
      %parallel_loop3A_310 = arith.andi %parallel_loop3A_297, %parallel_loop3A_309 : vector<16xi32>
      tpu.vector_store_idx %arg9[%parallel_loop3A_307, %parallel_loop3A_310], %broadcast_in_dim3A_35 {add = true} : memref<128x128xf32, #tpu.memory_space<vmem>>[vector<16xi32>, vector<16xi32>], vector<16xf32>,
    } {sc.loop_unroll_factor = 4 : i64, sc.parallel_access}
    %dma_wait3A_224 = arith.constant 0 : i32
    %dma_wait3A_225 = tpu.memref_slice %arg2[%select_n3A, %add3A_208, %dma_wait3A_224] : memref<16x512x512xf32, #tpu.memory_space<hbm>> -> memref<1x32x512xf32, #tpu.memory_space<hbm>>
    %dma_wait3A_226 = tpu.memref_squeeze %dma_wait3A_225 : memref<1x32x512xf32, #tpu.memory_space<hbm>> -> memref<32x512xf32, #tpu.memory_space<hbm>>
    %dma_wait3A_227 = arith.constant 0 : i32
    %dma_wait3A_228 = tpu.memref_slice %arg2[%select_n3A, %add3A_208, %dma_wait3A_227] : memref<16x512x512xf32, #tpu.memory_space<hbm>> -> memref<1x32x512xf32, #tpu.memory_space<hbm>>
    %dma_wait3A_229 = tpu.memref_squeeze %dma_wait3A_228 : memref<1x32x512xf32, #tpu.memory_space<hbm>> -> memref<32x512xf32, #tpu.memory_space<hbm>>
    tpu.wait_dma2 semaphore(%arg10 : memref<!tpu.dma_semaphore, #tpu.memory_space<semaphore_mem>>) src(%dma_wait3A_229 : memref<32x512xf32, #tpu.memory_space<hbm>>) dst(%arg5 : memref<32x512xf32, #tpu.memory_space<vmem>>)
    %dma_wait3A_230 = arith.constant 0 : i32
    %dma_wait3A_231 = tpu.memref_slice %arg3[%select_n3A, %add3A_208, %dma_wait3A_230] : memref<16x512x512xi32, #tpu.memory_space<hbm>> -> memref<1x32x512xi32, #tpu.memory_space<hbm>>
    %dma_wait3A_232 = tpu.memref_squeeze %dma_wait3A_231 : memref<1x32x512xi32, #tpu.memory_space<hbm>> -> memref<32x512xi32, #tpu.memory_space<hbm>>
    %dma_wait3A_233 = arith.constant 0 : i32
    %dma_wait3A_234 = tpu.memref_slice %arg3[%select_n3A, %add3A_208, %dma_wait3A_233] : memref<16x512x512xi32, #tpu.memory_space<hbm>> -> memref<1x32x512xi32, #tpu.memory_space<hbm>>
    %dma_wait3A_235 = tpu.memref_squeeze %dma_wait3A_234 : memref<1x32x512xi32, #tpu.memory_space<hbm>> -> memref<32x512xi32, #tpu.memory_space<hbm>>
    tpu.wait_dma2 semaphore(%arg11 : memref<!tpu.dma_semaphore, #tpu.memory_space<semaphore_mem>>) src(%dma_wait3A_235 : memref<32x512xi32, #tpu.memory_space<hbm>>) dst(%arg6 : memref<32x512xi32, #tpu.memory_space<vmem>>)
    %add3A_236 = arith.constant 224 : i32
    %add3A_237 = arith.addi %mul3A_32, %add3A_236 : i32
    %dma_start3A_238 = arith.constant 0 : i32
    %dma_start3A_239 = tpu.memref_slice %arg2[%select_n3A, %add3A_237, %dma_start3A_238] : memref<16x512x512xf32, #tpu.memory_space<hbm>> -> memref<1x32x512xf32, #tpu.memory_space<hbm>>
    %dma_start3A_240 = tpu.memref_squeeze %dma_start3A_239 : memref<1x32x512xf32, #tpu.memory_space<hbm>> -> memref<32x512xf32, #tpu.memory_space<hbm>>
    %dma_start3A_241 = arith.constant 0 : i32
    %dma_start3A_242 = tpu.memref_slice %arg2[%select_n3A, %add3A_237, %dma_start3A_241] : memref<16x512x512xf32, #tpu.memory_space<hbm>> -> memref<1x32x512xf32, #tpu.memory_space<hbm>>
    %dma_start3A_243 = tpu.memref_squeeze %dma_start3A_242 : memref<1x32x512xf32, #tpu.memory_space<hbm>> -> memref<32x512xf32, #tpu.memory_space<hbm>>
    tpu.enqueue_dma source(%dma_start3A_243 : memref<32x512xf32, #tpu.memory_space<hbm>>) target(%arg7 : memref<32x512xf32, #tpu.memory_space<vmem>>) target_semaphore(%arg12 : memref<!tpu.dma_semaphore, #tpu.memory_space<semaphore_mem>>)
    %dma_start3A_244 = arith.constant 0 : i32
    %dma_start3A_245 = tpu.memref_slice %arg3[%select_n3A, %add3A_237, %dma_start3A_244] : memref<16x512x512xi32, #tpu.memory_space<hbm>> -> memref<1x32x512xi32, #tpu.memory_space<hbm>>
    %dma_start3A_246 = tpu.memref_squeeze %dma_start3A_245 : memref<1x32x512xi32, #tpu.memory_space<hbm>> -> memref<32x512xi32, #tpu.memory_space<hbm>>
    %dma_start3A_247 = arith.constant 0 : i32
    %dma_start3A_248 = tpu.memref_slice %arg3[%select_n3A, %add3A_237, %dma_start3A_247] : memref<16x512x512xi32, #tpu.memory_space<hbm>> -> memref<1x32x512xi32, #tpu.memory_space<hbm>>
    %dma_start3A_249 = tpu.memref_squeeze %dma_start3A_248 : memref<1x32x512xi32, #tpu.memory_space<hbm>> -> memref<32x512xi32, #tpu.memory_space<hbm>>
    tpu.enqueue_dma source(%dma_start3A_249 : memref<32x512xi32, #tpu.memory_space<hbm>>) target(%arg8 : memref<32x512xi32, #tpu.memory_space<vmem>>) target_semaphore(%arg13 : memref<!tpu.dma_semaphore, #tpu.memory_space<semaphore_mem>>)
    %parallel_loop3A_250 = arith.constant 0 : i32
    %parallel_loop3A_251 = arith.constant 1024 : i32
    %parallel_loop3A_252 = arith.constant 1 : i32
    scf.for %parallel_loop3A_272 = %parallel_loop3A_250 to %parallel_loop3A_251 step %parallel_loop3A_252  : i32 {
      %parallel_loop3A_273 = arith.constant 5 : i32
      %parallel_loop3A_274 = arith.shrsi %parallel_loop3A_272, %parallel_loop3A_273 : i32
      %parallel_loop3A_275 = arith.constant 31 : i32
      %parallel_loop3A_276 = arith.andi %parallel_loop3A_272, %parallel_loop3A_275 : i32
      %parallel_loop3A_277 = arith.constant 16 : i32
      %parallel_loop3A_278 = arith.muli %parallel_loop3A_276, %parallel_loop3A_277 : i32
      %parallel_loop3A_279 = arith.index_cast %parallel_loop3A_274 : i32 to index
      %parallel_loop3A_280 = arith.index_cast %parallel_loop3A_278 : i32 to index
      %parallel_loop3A_281 = tpu.vector_load %arg5[%parallel_loop3A_279, %parallel_loop3A_280] {strides = array<i32>} : memref<32x512xf32, #tpu.memory_space<vmem>>, vector<16xf32>,
      %parallel_loop3A_282 = arith.index_cast %parallel_loop3A_274 : i32 to index
      %parallel_loop3A_283 = arith.index_cast %parallel_loop3A_278 : i32 to index
      %parallel_loop3A_284 = tpu.vector_load %arg6[%parallel_loop3A_282, %parallel_loop3A_283] {strides = array<i32>} : memref<32x512xi32, #tpu.memory_space<vmem>>, vector<16xi32>,
      %parallel_loop3A_285 = arith.constant 341.333344 : f32
      %parallel_loop3A_286 = vector.broadcast %parallel_loop3A_285 : f32 to vector<16xf32>
      %parallel_loop3A_287 = arith.mulf %parallel_loop3A_281, %parallel_loop3A_286 : vector<16xf32>
      %parallel_loop3A_288 = arith.constant 0x4B401000 : f32
      %parallel_loop3A_289 = vector.broadcast %parallel_loop3A_288 : f32 to vector<16xf32>
      %parallel_loop3A_290 = arith.addf %parallel_loop3A_287, %parallel_loop3A_289 : vector<16xf32>
      %parallel_loop3A_291 = arith.constant 0x4B400000 : f32
      %parallel_loop3A_292 = vector.broadcast %parallel_loop3A_291 : f32 to vector<16xf32>
      %parallel_loop3A_293 = arith.maximumf %parallel_loop3A_290, %parallel_loop3A_292 : vector<16xf32>
      %parallel_loop3A_294 = arith.constant 0x4B401FFF : f32
      %parallel_loop3A_295 = vector.broadcast %parallel_loop3A_294 : f32 to vector<16xf32>
      %parallel_loop3A_296 = arith.minimumf %parallel_loop3A_293, %parallel_loop3A_295 : vector<16xf32>
      %parallel_loop3A_297 = vector.bitcast %parallel_loop3A_296 : vector<16xf32> to vector<16xi32>
      %parallel_loop3A_298 = arith.constant 7 : i32
      %parallel_loop3A_299 = vector.broadcast %parallel_loop3A_298 : i32 to vector<16xi32>
      %parallel_loop3A_300 = arith.shrsi %parallel_loop3A_297, %parallel_loop3A_299 : vector<16xi32>
      %parallel_loop3A_301 = arith.constant 63 : i32
      %parallel_loop3A_302 = vector.broadcast %parallel_loop3A_301 : i32 to vector<16xi32>
      %parallel_loop3A_303 = arith.andi %parallel_loop3A_300, %parallel_loop3A_302 : vector<16xi32>
      %parallel_loop3A_304 = arith.constant 6 : i32
      %parallel_loop3A_305 = vector.broadcast %parallel_loop3A_304 : i32 to vector<16xi32>
      %parallel_loop3A_306 = arith.shli %parallel_loop3A_284, %parallel_loop3A_305 : vector<16xi32>
      %parallel_loop3A_307 = arith.ori %parallel_loop3A_303, %parallel_loop3A_306 : vector<16xi32>
      %parallel_loop3A_308 = arith.constant 127 : i32
      %parallel_loop3A_309 = vector.broadcast %parallel_loop3A_308 : i32 to vector<16xi32>
      %parallel_loop3A_310 = arith.andi %parallel_loop3A_297, %parallel_loop3A_309 : vector<16xi32>
      tpu.vector_store_idx %arg9[%parallel_loop3A_307, %parallel_loop3A_310], %broadcast_in_dim3A_35 {add = true} : memref<128x128xf32, #tpu.memory_space<vmem>>[vector<16xi32>, vector<16xi32>], vector<16xf32>,
    } {sc.loop_unroll_factor = 4 : i64, sc.parallel_access}
    %dma_wait3A_253 = arith.constant 0 : i32
    %dma_wait3A_254 = tpu.memref_slice %arg2[%select_n3A, %add3A_237, %dma_wait3A_253] : memref<16x512x512xf32, #tpu.memory_space<hbm>> -> memref<1x32x512xf32, #tpu.memory_space<hbm>>
    %dma_wait3A_255 = tpu.memref_squeeze %dma_wait3A_254 : memref<1x32x512xf32, #tpu.memory_space<hbm>> -> memref<32x512xf32, #tpu.memory_space<hbm>>
    %dma_wait3A_256 = arith.constant 0 : i32
    %dma_wait3A_257 = tpu.memref_slice %arg2[%select_n3A, %add3A_237, %dma_wait3A_256] : memref<16x512x512xf32, #tpu.memory_space<hbm>> -> memref<1x32x512xf32, #tpu.memory_space<hbm>>
    %dma_wait3A_258 = tpu.memref_squeeze %dma_wait3A_257 : memref<1x32x512xf32, #tpu.memory_space<hbm>> -> memref<32x512xf32, #tpu.memory_space<hbm>>
    tpu.wait_dma2 semaphore(%arg12 : memref<!tpu.dma_semaphore, #tpu.memory_space<semaphore_mem>>) src(%dma_wait3A_258 : memref<32x512xf32, #tpu.memory_space<hbm>>) dst(%arg7 : memref<32x512xf32, #tpu.memory_space<vmem>>)
    %dma_wait3A_259 = arith.constant 0 : i32
    %dma_wait3A_260 = tpu.memref_slice %arg3[%select_n3A, %add3A_237, %dma_wait3A_259] : memref<16x512x512xi32, #tpu.memory_space<hbm>> -> memref<1x32x512xi32, #tpu.memory_space<hbm>>
    %dma_wait3A_261 = tpu.memref_squeeze %dma_wait3A_260 : memref<1x32x512xi32, #tpu.memory_space<hbm>> -> memref<32x512xi32, #tpu.memory_space<hbm>>
    %dma_wait3A_262 = arith.constant 0 : i32
    %dma_wait3A_263 = tpu.memref_slice %arg3[%select_n3A, %add3A_237, %dma_wait3A_262] : memref<16x512x512xi32, #tpu.memory_space<hbm>> -> memref<1x32x512xi32, #tpu.memory_space<hbm>>
    %dma_wait3A_264 = tpu.memref_squeeze %dma_wait3A_263 : memref<1x32x512xi32, #tpu.memory_space<hbm>> -> memref<32x512xi32, #tpu.memory_space<hbm>>
    tpu.wait_dma2 semaphore(%arg13 : memref<!tpu.dma_semaphore, #tpu.memory_space<semaphore_mem>>) src(%dma_wait3A_264 : memref<32x512xi32, #tpu.memory_space<hbm>>) dst(%arg8 : memref<32x512xi32, #tpu.memory_space<vmem>>)
    %parallel_loop3A_265 = arith.constant 0 : i32
    %parallel_loop3A_266 = arith.constant 1024 : i32
    %parallel_loop3A_267 = arith.constant 1 : i32
    scf.for %parallel_loop3A_272 = %parallel_loop3A_265 to %parallel_loop3A_266 step %parallel_loop3A_267  : i32 {
      %parallel_loop3A_273 = arith.constant 5 : i32
      %parallel_loop3A_274 = arith.shrsi %parallel_loop3A_272, %parallel_loop3A_273 : i32
      %parallel_loop3A_275 = arith.constant 31 : i32
      %parallel_loop3A_276 = arith.andi %parallel_loop3A_272, %parallel_loop3A_275 : i32
      %parallel_loop3A_277 = arith.constant 16 : i32
      %parallel_loop3A_278 = arith.muli %parallel_loop3A_276, %parallel_loop3A_277 : i32
      %parallel_loop3A_279 = arith.index_cast %parallel_loop3A_274 : i32 to index
      %parallel_loop3A_280 = arith.index_cast %parallel_loop3A_278 : i32 to index
      %parallel_loop3A_281 = tpu.vector_load %arg7[%parallel_loop3A_279, %parallel_loop3A_280] {strides = array<i32>} : memref<32x512xf32, #tpu.memory_space<vmem>>, vector<16xf32>,
      %parallel_loop3A_282 = arith.index_cast %parallel_loop3A_274 : i32 to index
      %parallel_loop3A_283 = arith.index_cast %parallel_loop3A_278 : i32 to index
      %parallel_loop3A_284 = tpu.vector_load %arg8[%parallel_loop3A_282, %parallel_loop3A_283] {strides = array<i32>} : memref<32x512xi32, #tpu.memory_space<vmem>>, vector<16xi32>,
      %parallel_loop3A_285 = arith.constant 341.333344 : f32
      %parallel_loop3A_286 = vector.broadcast %parallel_loop3A_285 : f32 to vector<16xf32>
      %parallel_loop3A_287 = arith.mulf %parallel_loop3A_281, %parallel_loop3A_286 : vector<16xf32>
      %parallel_loop3A_288 = arith.constant 0x4B401000 : f32
      %parallel_loop3A_289 = vector.broadcast %parallel_loop3A_288 : f32 to vector<16xf32>
      %parallel_loop3A_290 = arith.addf %parallel_loop3A_287, %parallel_loop3A_289 : vector<16xf32>
      %parallel_loop3A_291 = arith.constant 0x4B400000 : f32
      %parallel_loop3A_292 = vector.broadcast %parallel_loop3A_291 : f32 to vector<16xf32>
      %parallel_loop3A_293 = arith.maximumf %parallel_loop3A_290, %parallel_loop3A_292 : vector<16xf32>
      %parallel_loop3A_294 = arith.constant 0x4B401FFF : f32
      %parallel_loop3A_295 = vector.broadcast %parallel_loop3A_294 : f32 to vector<16xf32>
      %parallel_loop3A_296 = arith.minimumf %parallel_loop3A_293, %parallel_loop3A_295 : vector<16xf32>
      %parallel_loop3A_297 = vector.bitcast %parallel_loop3A_296 : vector<16xf32> to vector<16xi32>
      %parallel_loop3A_298 = arith.constant 7 : i32
      %parallel_loop3A_299 = vector.broadcast %parallel_loop3A_298 : i32 to vector<16xi32>
      %parallel_loop3A_300 = arith.shrsi %parallel_loop3A_297, %parallel_loop3A_299 : vector<16xi32>
      %parallel_loop3A_301 = arith.constant 63 : i32
      %parallel_loop3A_302 = vector.broadcast %parallel_loop3A_301 : i32 to vector<16xi32>
      %parallel_loop3A_303 = arith.andi %parallel_loop3A_300, %parallel_loop3A_302 : vector<16xi32>
      %parallel_loop3A_304 = arith.constant 6 : i32
      %parallel_loop3A_305 = vector.broadcast %parallel_loop3A_304 : i32 to vector<16xi32>
      %parallel_loop3A_306 = arith.shli %parallel_loop3A_284, %parallel_loop3A_305 : vector<16xi32>
      %parallel_loop3A_307 = arith.ori %parallel_loop3A_303, %parallel_loop3A_306 : vector<16xi32>
      %parallel_loop3A_308 = arith.constant 127 : i32
      %parallel_loop3A_309 = vector.broadcast %parallel_loop3A_308 : i32 to vector<16xi32>
      %parallel_loop3A_310 = arith.andi %parallel_loop3A_297, %parallel_loop3A_309 : vector<16xi32>
      tpu.vector_store_idx %arg9[%parallel_loop3A_307, %parallel_loop3A_310], %broadcast_in_dim3A_35 {add = true} : memref<128x128xf32, #tpu.memory_space<vmem>>[vector<16xi32>, vector<16xi32>], vector<16xf32>,
    } {sc.loop_unroll_factor = 4 : i64, sc.parallel_access}
    %mul3A_268 = arith.constant 2 : i32
    %mul3A_269 = arith.muli %add3A, %mul3A_268 : i32
    %mul3A_270 = arith.constant 64 : i32
    %mul3A_271 = arith.muli %mul3A_269, %mul3A_270 : i32
    "tpu.region"() ({
      %run_scoped3A = tpu.sem_alloc : memref<!tpu.dma_semaphore, #tpu.memory_space<semaphore_mem>>
      %dma_start3A_272 = arith.constant 0 : i32
      %dma_start3A_273 = tpu.memref_slice %arg4[%mul3A_271, %dma_start3A_272] : memref<4096x128xf32, #tpu.memory_space<hbm>> -> memref<128x128xf32, #tpu.memory_space<hbm>>
      %dma_start3A_274 = arith.constant 0 : i32
      %dma_start3A_275 = tpu.memref_slice %arg4[%mul3A_271, %dma_start3A_274] : memref<4096x128xf32, #tpu.memory_space<hbm>> -> memref<128x128xf32, #tpu.memory_space<hbm>>
      tpu.enqueue_dma source(%arg9 : memref<128x128xf32, #tpu.memory_space<vmem>>) target(%dma_start3A_275 : memref<128x128xf32, #tpu.memory_space<hbm>>) target_semaphore(%run_scoped3A : memref<!tpu.dma_semaphore, #tpu.memory_space<semaphore_mem>>)
      %dma_wait3A_276 = arith.constant 0 : i32
      %dma_wait3A_277 = tpu.memref_slice %arg4[%mul3A_271, %dma_wait3A_276] : memref<4096x128xf32, #tpu.memory_space<hbm>> -> memref<128x128xf32, #tpu.memory_space<hbm>>
      %dma_wait3A_278 = arith.constant 0 : i32
      %dma_wait3A_279 = tpu.memref_slice %arg4[%mul3A_271, %dma_wait3A_278] : memref<4096x128xf32, #tpu.memory_space<hbm>> -> memref<128x128xf32, #tpu.memory_space<hbm>>
      tpu.wait_dma2 semaphore(%run_scoped3A : memref<!tpu.dma_semaphore, #tpu.memory_space<semaphore_mem>>) src(%arg9 : memref<128x128xf32, #tpu.memory_space<vmem>>) dst(%dma_wait3A_279 : memref<128x128xf32, #tpu.memory_space<hbm>>)
      tpu.yield
    }) : () -> ()
    return
  }
}

module attributes {stable_mosaic.version = 14 : i64} {
  func.func @_tc_combine(%arg0: memref<4096x128xf32, #tpu.memory_space<vmem>>, %arg1: memref<1x1xf32, #tpu.memory_space<vmem>>) attributes {dimension_semantics = [], scalar_prefetch = 0 : i64, scratch_operands = 0 : i64, tpu.core_type = #tpu.core_type<tc>} {
    %get3A = arith.constant 0 : index
    %get3A_0 = arith.constant 0 : index
    %get3A_1 = vector.load %arg0[%get3A, %get3A_0] : memref<4096x128xf32, #tpu.memory_space<vmem>>, vector<4096x128xf32>
    %reshape3A = vector.shape_cast %get3A_1 : vector<4096x128xf32> to vector<32x2x64x128xf32>
    %slice3A = vector.extract_strided_slice %reshape3A {offsets = [0, 0, 0, 0], sizes = [1, 1, 64, 128], strides = [1, 1, 1, 1]} : vector<32x2x64x128xf32> to vector<1x1x64x128xf32>
    %squeeze3A = vector.shape_cast %slice3A : vector<1x1x64x128xf32> to vector<64x128xf32>
    %slice3A_2 = vector.extract_strided_slice %reshape3A {offsets = [0, 1, 0, 0], sizes = [1, 1, 64, 128], strides = [1, 1, 1, 1]} : vector<32x2x64x128xf32> to vector<1x1x64x128xf32>
    %squeeze3A_3 = vector.shape_cast %slice3A_2 : vector<1x1x64x128xf32> to vector<64x128xf32>
    %slice3A_4 = vector.extract_strided_slice %reshape3A {offsets = [1, 0, 0, 0], sizes = [1, 1, 64, 128], strides = [1, 1, 1, 1]} : vector<32x2x64x128xf32> to vector<1x1x64x128xf32>
    %squeeze3A_5 = vector.shape_cast %slice3A_4 : vector<1x1x64x128xf32> to vector<64x128xf32>
    %add3A = arith.addf %squeeze3A, %squeeze3A_5 : vector<64x128xf32>
    %slice3A_6 = vector.extract_strided_slice %reshape3A {offsets = [1, 1, 0, 0], sizes = [1, 1, 64, 128], strides = [1, 1, 1, 1]} : vector<32x2x64x128xf32> to vector<1x1x64x128xf32>
    %squeeze3A_7 = vector.shape_cast %slice3A_6 : vector<1x1x64x128xf32> to vector<64x128xf32>
    %add3A_8 = arith.addf %squeeze3A_3, %squeeze3A_7 : vector<64x128xf32>
    %slice3A_9 = vector.extract_strided_slice %reshape3A {offsets = [2, 0, 0, 0], sizes = [1, 1, 64, 128], strides = [1, 1, 1, 1]} : vector<32x2x64x128xf32> to vector<1x1x64x128xf32>
    %squeeze3A_10 = vector.shape_cast %slice3A_9 : vector<1x1x64x128xf32> to vector<64x128xf32>
    %add3A_11 = arith.addf %add3A, %squeeze3A_10 : vector<64x128xf32>
    %slice3A_12 = vector.extract_strided_slice %reshape3A {offsets = [2, 1, 0, 0], sizes = [1, 1, 64, 128], strides = [1, 1, 1, 1]} : vector<32x2x64x128xf32> to vector<1x1x64x128xf32>
    %squeeze3A_13 = vector.shape_cast %slice3A_12 : vector<1x1x64x128xf32> to vector<64x128xf32>
    %add3A_14 = arith.addf %add3A_8, %squeeze3A_13 : vector<64x128xf32>
    %slice3A_15 = vector.extract_strided_slice %reshape3A {offsets = [3, 0, 0, 0], sizes = [1, 1, 64, 128], strides = [1, 1, 1, 1]} : vector<32x2x64x128xf32> to vector<1x1x64x128xf32>
    %squeeze3A_16 = vector.shape_cast %slice3A_15 : vector<1x1x64x128xf32> to vector<64x128xf32>
    %add3A_17 = arith.addf %add3A_11, %squeeze3A_16 : vector<64x128xf32>
    %slice3A_18 = vector.extract_strided_slice %reshape3A {offsets = [3, 1, 0, 0], sizes = [1, 1, 64, 128], strides = [1, 1, 1, 1]} : vector<32x2x64x128xf32> to vector<1x1x64x128xf32>
    %squeeze3A_19 = vector.shape_cast %slice3A_18 : vector<1x1x64x128xf32> to vector<64x128xf32>
    %add3A_20 = arith.addf %add3A_14, %squeeze3A_19 : vector<64x128xf32>
    %slice3A_21 = vector.extract_strided_slice %reshape3A {offsets = [4, 0, 0, 0], sizes = [1, 1, 64, 128], strides = [1, 1, 1, 1]} : vector<32x2x64x128xf32> to vector<1x1x64x128xf32>
    %squeeze3A_22 = vector.shape_cast %slice3A_21 : vector<1x1x64x128xf32> to vector<64x128xf32>
    %add3A_23 = arith.addf %add3A_17, %squeeze3A_22 : vector<64x128xf32>
    %slice3A_24 = vector.extract_strided_slice %reshape3A {offsets = [4, 1, 0, 0], sizes = [1, 1, 64, 128], strides = [1, 1, 1, 1]} : vector<32x2x64x128xf32> to vector<1x1x64x128xf32>
    %squeeze3A_25 = vector.shape_cast %slice3A_24 : vector<1x1x64x128xf32> to vector<64x128xf32>
    %add3A_26 = arith.addf %add3A_20, %squeeze3A_25 : vector<64x128xf32>
    %slice3A_27 = vector.extract_strided_slice %reshape3A {offsets = [5, 0, 0, 0], sizes = [1, 1, 64, 128], strides = [1, 1, 1, 1]} : vector<32x2x64x128xf32> to vector<1x1x64x128xf32>
    %squeeze3A_28 = vector.shape_cast %slice3A_27 : vector<1x1x64x128xf32> to vector<64x128xf32>
    %add3A_29 = arith.addf %add3A_23, %squeeze3A_28 : vector<64x128xf32>
    %slice3A_30 = vector.extract_strided_slice %reshape3A {offsets = [5, 1, 0, 0], sizes = [1, 1, 64, 128], strides = [1, 1, 1, 1]} : vector<32x2x64x128xf32> to vector<1x1x64x128xf32>
    %squeeze3A_31 = vector.shape_cast %slice3A_30 : vector<1x1x64x128xf32> to vector<64x128xf32>
    %add3A_32 = arith.addf %add3A_26, %squeeze3A_31 : vector<64x128xf32>
    %slice3A_33 = vector.extract_strided_slice %reshape3A {offsets = [6, 0, 0, 0], sizes = [1, 1, 64, 128], strides = [1, 1, 1, 1]} : vector<32x2x64x128xf32> to vector<1x1x64x128xf32>
    %squeeze3A_34 = vector.shape_cast %slice3A_33 : vector<1x1x64x128xf32> to vector<64x128xf32>
    %add3A_35 = arith.addf %add3A_29, %squeeze3A_34 : vector<64x128xf32>
    %slice3A_36 = vector.extract_strided_slice %reshape3A {offsets = [6, 1, 0, 0], sizes = [1, 1, 64, 128], strides = [1, 1, 1, 1]} : vector<32x2x64x128xf32> to vector<1x1x64x128xf32>
    %squeeze3A_37 = vector.shape_cast %slice3A_36 : vector<1x1x64x128xf32> to vector<64x128xf32>
    %add3A_38 = arith.addf %add3A_32, %squeeze3A_37 : vector<64x128xf32>
    %slice3A_39 = vector.extract_strided_slice %reshape3A {offsets = [7, 0, 0, 0], sizes = [1, 1, 64, 128], strides = [1, 1, 1, 1]} : vector<32x2x64x128xf32> to vector<1x1x64x128xf32>
    %squeeze3A_40 = vector.shape_cast %slice3A_39 : vector<1x1x64x128xf32> to vector<64x128xf32>
    %add3A_41 = arith.addf %add3A_35, %squeeze3A_40 : vector<64x128xf32>
    %slice3A_42 = vector.extract_strided_slice %reshape3A {offsets = [7, 1, 0, 0], sizes = [1, 1, 64, 128], strides = [1, 1, 1, 1]} : vector<32x2x64x128xf32> to vector<1x1x64x128xf32>
    %squeeze3A_43 = vector.shape_cast %slice3A_42 : vector<1x1x64x128xf32> to vector<64x128xf32>
    %add3A_44 = arith.addf %add3A_38, %squeeze3A_43 : vector<64x128xf32>
    %slice3A_45 = vector.extract_strided_slice %reshape3A {offsets = [8, 0, 0, 0], sizes = [1, 1, 64, 128], strides = [1, 1, 1, 1]} : vector<32x2x64x128xf32> to vector<1x1x64x128xf32>
    %squeeze3A_46 = vector.shape_cast %slice3A_45 : vector<1x1x64x128xf32> to vector<64x128xf32>
    %add3A_47 = arith.addf %add3A_41, %squeeze3A_46 : vector<64x128xf32>
    %slice3A_48 = vector.extract_strided_slice %reshape3A {offsets = [8, 1, 0, 0], sizes = [1, 1, 64, 128], strides = [1, 1, 1, 1]} : vector<32x2x64x128xf32> to vector<1x1x64x128xf32>
    %squeeze3A_49 = vector.shape_cast %slice3A_48 : vector<1x1x64x128xf32> to vector<64x128xf32>
    %add3A_50 = arith.addf %add3A_44, %squeeze3A_49 : vector<64x128xf32>
    %slice3A_51 = vector.extract_strided_slice %reshape3A {offsets = [9, 0, 0, 0], sizes = [1, 1, 64, 128], strides = [1, 1, 1, 1]} : vector<32x2x64x128xf32> to vector<1x1x64x128xf32>
    %squeeze3A_52 = vector.shape_cast %slice3A_51 : vector<1x1x64x128xf32> to vector<64x128xf32>
    %add3A_53 = arith.addf %add3A_47, %squeeze3A_52 : vector<64x128xf32>
    %slice3A_54 = vector.extract_strided_slice %reshape3A {offsets = [9, 1, 0, 0], sizes = [1, 1, 64, 128], strides = [1, 1, 1, 1]} : vector<32x2x64x128xf32> to vector<1x1x64x128xf32>
    %squeeze3A_55 = vector.shape_cast %slice3A_54 : vector<1x1x64x128xf32> to vector<64x128xf32>
    %add3A_56 = arith.addf %add3A_50, %squeeze3A_55 : vector<64x128xf32>
    %slice3A_57 = vector.extract_strided_slice %reshape3A {offsets = [10, 0, 0, 0], sizes = [1, 1, 64, 128], strides = [1, 1, 1, 1]} : vector<32x2x64x128xf32> to vector<1x1x64x128xf32>
    %squeeze3A_58 = vector.shape_cast %slice3A_57 : vector<1x1x64x128xf32> to vector<64x128xf32>
    %add3A_59 = arith.addf %add3A_53, %squeeze3A_58 : vector<64x128xf32>
    %slice3A_60 = vector.extract_strided_slice %reshape3A {offsets = [10, 1, 0, 0], sizes = [1, 1, 64, 128], strides = [1, 1, 1, 1]} : vector<32x2x64x128xf32> to vector<1x1x64x128xf32>
    %squeeze3A_61 = vector.shape_cast %slice3A_60 : vector<1x1x64x128xf32> to vector<64x128xf32>
    %add3A_62 = arith.addf %add3A_56, %squeeze3A_61 : vector<64x128xf32>
    %slice3A_63 = vector.extract_strided_slice %reshape3A {offsets = [11, 0, 0, 0], sizes = [1, 1, 64, 128], strides = [1, 1, 1, 1]} : vector<32x2x64x128xf32> to vector<1x1x64x128xf32>
    %squeeze3A_64 = vector.shape_cast %slice3A_63 : vector<1x1x64x128xf32> to vector<64x128xf32>
    %add3A_65 = arith.addf %add3A_59, %squeeze3A_64 : vector<64x128xf32>
    %slice3A_66 = vector.extract_strided_slice %reshape3A {offsets = [11, 1, 0, 0], sizes = [1, 1, 64, 128], strides = [1, 1, 1, 1]} : vector<32x2x64x128xf32> to vector<1x1x64x128xf32>
    %squeeze3A_67 = vector.shape_cast %slice3A_66 : vector<1x1x64x128xf32> to vector<64x128xf32>
    %add3A_68 = arith.addf %add3A_62, %squeeze3A_67 : vector<64x128xf32>
    %slice3A_69 = vector.extract_strided_slice %reshape3A {offsets = [12, 0, 0, 0], sizes = [1, 1, 64, 128], strides = [1, 1, 1, 1]} : vector<32x2x64x128xf32> to vector<1x1x64x128xf32>
    %squeeze3A_70 = vector.shape_cast %slice3A_69 : vector<1x1x64x128xf32> to vector<64x128xf32>
    %add3A_71 = arith.addf %add3A_65, %squeeze3A_70 : vector<64x128xf32>
    %slice3A_72 = vector.extract_strided_slice %reshape3A {offsets = [12, 1, 0, 0], sizes = [1, 1, 64, 128], strides = [1, 1, 1, 1]} : vector<32x2x64x128xf32> to vector<1x1x64x128xf32>
    %squeeze3A_73 = vector.shape_cast %slice3A_72 : vector<1x1x64x128xf32> to vector<64x128xf32>
    %add3A_74 = arith.addf %add3A_68, %squeeze3A_73 : vector<64x128xf32>
    %slice3A_75 = vector.extract_strided_slice %reshape3A {offsets = [13, 0, 0, 0], sizes = [1, 1, 64, 128], strides = [1, 1, 1, 1]} : vector<32x2x64x128xf32> to vector<1x1x64x128xf32>
    %squeeze3A_76 = vector.shape_cast %slice3A_75 : vector<1x1x64x128xf32> to vector<64x128xf32>
    %add3A_77 = arith.addf %add3A_71, %squeeze3A_76 : vector<64x128xf32>
    %slice3A_78 = vector.extract_strided_slice %reshape3A {offsets = [13, 1, 0, 0], sizes = [1, 1, 64, 128], strides = [1, 1, 1, 1]} : vector<32x2x64x128xf32> to vector<1x1x64x128xf32>
    %squeeze3A_79 = vector.shape_cast %slice3A_78 : vector<1x1x64x128xf32> to vector<64x128xf32>
    %add3A_80 = arith.addf %add3A_74, %squeeze3A_79 : vector<64x128xf32>
    %slice3A_81 = vector.extract_strided_slice %reshape3A {offsets = [14, 0, 0, 0], sizes = [1, 1, 64, 128], strides = [1, 1, 1, 1]} : vector<32x2x64x128xf32> to vector<1x1x64x128xf32>
    %squeeze3A_82 = vector.shape_cast %slice3A_81 : vector<1x1x64x128xf32> to vector<64x128xf32>
    %add3A_83 = arith.addf %add3A_77, %squeeze3A_82 : vector<64x128xf32>
    %slice3A_84 = vector.extract_strided_slice %reshape3A {offsets = [14, 1, 0, 0], sizes = [1, 1, 64, 128], strides = [1, 1, 1, 1]} : vector<32x2x64x128xf32> to vector<1x1x64x128xf32>
    %squeeze3A_85 = vector.shape_cast %slice3A_84 : vector<1x1x64x128xf32> to vector<64x128xf32>
    %add3A_86 = arith.addf %add3A_80, %squeeze3A_85 : vector<64x128xf32>
    %slice3A_87 = vector.extract_strided_slice %reshape3A {offsets = [15, 0, 0, 0], sizes = [1, 1, 64, 128], strides = [1, 1, 1, 1]} : vector<32x2x64x128xf32> to vector<1x1x64x128xf32>
    %squeeze3A_88 = vector.shape_cast %slice3A_87 : vector<1x1x64x128xf32> to vector<64x128xf32>
    %add3A_89 = arith.addf %add3A_83, %squeeze3A_88 : vector<64x128xf32>
    %slice3A_90 = vector.extract_strided_slice %reshape3A {offsets = [15, 1, 0, 0], sizes = [1, 1, 64, 128], strides = [1, 1, 1, 1]} : vector<32x2x64x128xf32> to vector<1x1x64x128xf32>
    %squeeze3A_91 = vector.shape_cast %slice3A_90 : vector<1x1x64x128xf32> to vector<64x128xf32>
    %add3A_92 = arith.addf %add3A_86, %squeeze3A_91 : vector<64x128xf32>
    %slice3A_93 = vector.extract_strided_slice %reshape3A {offsets = [16, 0, 0, 0], sizes = [1, 1, 64, 128], strides = [1, 1, 1, 1]} : vector<32x2x64x128xf32> to vector<1x1x64x128xf32>
    %squeeze3A_94 = vector.shape_cast %slice3A_93 : vector<1x1x64x128xf32> to vector<64x128xf32>
    %add3A_95 = arith.addf %add3A_89, %squeeze3A_94 : vector<64x128xf32>
    %slice3A_96 = vector.extract_strided_slice %reshape3A {offsets = [16, 1, 0, 0], sizes = [1, 1, 64, 128], strides = [1, 1, 1, 1]} : vector<32x2x64x128xf32> to vector<1x1x64x128xf32>
    %squeeze3A_97 = vector.shape_cast %slice3A_96 : vector<1x1x64x128xf32> to vector<64x128xf32>
    %add3A_98 = arith.addf %add3A_92, %squeeze3A_97 : vector<64x128xf32>
    %slice3A_99 = vector.extract_strided_slice %reshape3A {offsets = [17, 0, 0, 0], sizes = [1, 1, 64, 128], strides = [1, 1, 1, 1]} : vector<32x2x64x128xf32> to vector<1x1x64x128xf32>
    %squeeze3A_100 = vector.shape_cast %slice3A_99 : vector<1x1x64x128xf32> to vector<64x128xf32>
    %add3A_101 = arith.addf %add3A_95, %squeeze3A_100 : vector<64x128xf32>
    %slice3A_102 = vector.extract_strided_slice %reshape3A {offsets = [17, 1, 0, 0], sizes = [1, 1, 64, 128], strides = [1, 1, 1, 1]} : vector<32x2x64x128xf32> to vector<1x1x64x128xf32>
    %squeeze3A_103 = vector.shape_cast %slice3A_102 : vector<1x1x64x128xf32> to vector<64x128xf32>
    %add3A_104 = arith.addf %add3A_98, %squeeze3A_103 : vector<64x128xf32>
    %slice3A_105 = vector.extract_strided_slice %reshape3A {offsets = [18, 0, 0, 0], sizes = [1, 1, 64, 128], strides = [1, 1, 1, 1]} : vector<32x2x64x128xf32> to vector<1x1x64x128xf32>
    %squeeze3A_106 = vector.shape_cast %slice3A_105 : vector<1x1x64x128xf32> to vector<64x128xf32>
    %add3A_107 = arith.addf %add3A_101, %squeeze3A_106 : vector<64x128xf32>
    %slice3A_108 = vector.extract_strided_slice %reshape3A {offsets = [18, 1, 0, 0], sizes = [1, 1, 64, 128], strides = [1, 1, 1, 1]} : vector<32x2x64x128xf32> to vector<1x1x64x128xf32>
    %squeeze3A_109 = vector.shape_cast %slice3A_108 : vector<1x1x64x128xf32> to vector<64x128xf32>
    %add3A_110 = arith.addf %add3A_104, %squeeze3A_109 : vector<64x128xf32>
    %slice3A_111 = vector.extract_strided_slice %reshape3A {offsets = [19, 0, 0, 0], sizes = [1, 1, 64, 128], strides = [1, 1, 1, 1]} : vector<32x2x64x128xf32> to vector<1x1x64x128xf32>
    %squeeze3A_112 = vector.shape_cast %slice3A_111 : vector<1x1x64x128xf32> to vector<64x128xf32>
    %add3A_113 = arith.addf %add3A_107, %squeeze3A_112 : vector<64x128xf32>
    %slice3A_114 = vector.extract_strided_slice %reshape3A {offsets = [19, 1, 0, 0], sizes = [1, 1, 64, 128], strides = [1, 1, 1, 1]} : vector<32x2x64x128xf32> to vector<1x1x64x128xf32>
    %squeeze3A_115 = vector.shape_cast %slice3A_114 : vector<1x1x64x128xf32> to vector<64x128xf32>
    %add3A_116 = arith.addf %add3A_110, %squeeze3A_115 : vector<64x128xf32>
    %slice3A_117 = vector.extract_strided_slice %reshape3A {offsets = [20, 0, 0, 0], sizes = [1, 1, 64, 128], strides = [1, 1, 1, 1]} : vector<32x2x64x128xf32> to vector<1x1x64x128xf32>
    %squeeze3A_118 = vector.shape_cast %slice3A_117 : vector<1x1x64x128xf32> to vector<64x128xf32>
    %add3A_119 = arith.addf %add3A_113, %squeeze3A_118 : vector<64x128xf32>
    %slice3A_120 = vector.extract_strided_slice %reshape3A {offsets = [20, 1, 0, 0], sizes = [1, 1, 64, 128], strides = [1, 1, 1, 1]} : vector<32x2x64x128xf32> to vector<1x1x64x128xf32>
    %squeeze3A_121 = vector.shape_cast %slice3A_120 : vector<1x1x64x128xf32> to vector<64x128xf32>
    %add3A_122 = arith.addf %add3A_116, %squeeze3A_121 : vector<64x128xf32>
    %slice3A_123 = vector.extract_strided_slice %reshape3A {offsets = [21, 0, 0, 0], sizes = [1, 1, 64, 128], strides = [1, 1, 1, 1]} : vector<32x2x64x128xf32> to vector<1x1x64x128xf32>
    %squeeze3A_124 = vector.shape_cast %slice3A_123 : vector<1x1x64x128xf32> to vector<64x128xf32>
    %add3A_125 = arith.addf %add3A_119, %squeeze3A_124 : vector<64x128xf32>
    %slice3A_126 = vector.extract_strided_slice %reshape3A {offsets = [21, 1, 0, 0], sizes = [1, 1, 64, 128], strides = [1, 1, 1, 1]} : vector<32x2x64x128xf32> to vector<1x1x64x128xf32>
    %squeeze3A_127 = vector.shape_cast %slice3A_126 : vector<1x1x64x128xf32> to vector<64x128xf32>
    %add3A_128 = arith.addf %add3A_122, %squeeze3A_127 : vector<64x128xf32>
    %slice3A_129 = vector.extract_strided_slice %reshape3A {offsets = [22, 0, 0, 0], sizes = [1, 1, 64, 128], strides = [1, 1, 1, 1]} : vector<32x2x64x128xf32> to vector<1x1x64x128xf32>
    %squeeze3A_130 = vector.shape_cast %slice3A_129 : vector<1x1x64x128xf32> to vector<64x128xf32>
    %add3A_131 = arith.addf %add3A_125, %squeeze3A_130 : vector<64x128xf32>
    %slice3A_132 = vector.extract_strided_slice %reshape3A {offsets = [22, 1, 0, 0], sizes = [1, 1, 64, 128], strides = [1, 1, 1, 1]} : vector<32x2x64x128xf32> to vector<1x1x64x128xf32>
    %squeeze3A_133 = vector.shape_cast %slice3A_132 : vector<1x1x64x128xf32> to vector<64x128xf32>
    %add3A_134 = arith.addf %add3A_128, %squeeze3A_133 : vector<64x128xf32>
    %slice3A_135 = vector.extract_strided_slice %reshape3A {offsets = [23, 0, 0, 0], sizes = [1, 1, 64, 128], strides = [1, 1, 1, 1]} : vector<32x2x64x128xf32> to vector<1x1x64x128xf32>
    %squeeze3A_136 = vector.shape_cast %slice3A_135 : vector<1x1x64x128xf32> to vector<64x128xf32>
    %add3A_137 = arith.addf %add3A_131, %squeeze3A_136 : vector<64x128xf32>
    %slice3A_138 = vector.extract_strided_slice %reshape3A {offsets = [23, 1, 0, 0], sizes = [1, 1, 64, 128], strides = [1, 1, 1, 1]} : vector<32x2x64x128xf32> to vector<1x1x64x128xf32>
    %squeeze3A_139 = vector.shape_cast %slice3A_138 : vector<1x1x64x128xf32> to vector<64x128xf32>
    %add3A_140 = arith.addf %add3A_134, %squeeze3A_139 : vector<64x128xf32>
    %slice3A_141 = vector.extract_strided_slice %reshape3A {offsets = [24, 0, 0, 0], sizes = [1, 1, 64, 128], strides = [1, 1, 1, 1]} : vector<32x2x64x128xf32> to vector<1x1x64x128xf32>
    %squeeze3A_142 = vector.shape_cast %slice3A_141 : vector<1x1x64x128xf32> to vector<64x128xf32>
    %add3A_143 = arith.addf %add3A_137, %squeeze3A_142 : vector<64x128xf32>
    %slice3A_144 = vector.extract_strided_slice %reshape3A {offsets = [24, 1, 0, 0], sizes = [1, 1, 64, 128], strides = [1, 1, 1, 1]} : vector<32x2x64x128xf32> to vector<1x1x64x128xf32>
    %squeeze3A_145 = vector.shape_cast %slice3A_144 : vector<1x1x64x128xf32> to vector<64x128xf32>
    %add3A_146 = arith.addf %add3A_140, %squeeze3A_145 : vector<64x128xf32>
    %slice3A_147 = vector.extract_strided_slice %reshape3A {offsets = [25, 0, 0, 0], sizes = [1, 1, 64, 128], strides = [1, 1, 1, 1]} : vector<32x2x64x128xf32> to vector<1x1x64x128xf32>
    %squeeze3A_148 = vector.shape_cast %slice3A_147 : vector<1x1x64x128xf32> to vector<64x128xf32>
    %add3A_149 = arith.addf %add3A_143, %squeeze3A_148 : vector<64x128xf32>
    %slice3A_150 = vector.extract_strided_slice %reshape3A {offsets = [25, 1, 0, 0], sizes = [1, 1, 64, 128], strides = [1, 1, 1, 1]} : vector<32x2x64x128xf32> to vector<1x1x64x128xf32>
    %squeeze3A_151 = vector.shape_cast %slice3A_150 : vector<1x1x64x128xf32> to vector<64x128xf32>
    %add3A_152 = arith.addf %add3A_146, %squeeze3A_151 : vector<64x128xf32>
    %slice3A_153 = vector.extract_strided_slice %reshape3A {offsets = [26, 0, 0, 0], sizes = [1, 1, 64, 128], strides = [1, 1, 1, 1]} : vector<32x2x64x128xf32> to vector<1x1x64x128xf32>
    %squeeze3A_154 = vector.shape_cast %slice3A_153 : vector<1x1x64x128xf32> to vector<64x128xf32>
    %add3A_155 = arith.addf %add3A_149, %squeeze3A_154 : vector<64x128xf32>
    %slice3A_156 = vector.extract_strided_slice %reshape3A {offsets = [26, 1, 0, 0], sizes = [1, 1, 64, 128], strides = [1, 1, 1, 1]} : vector<32x2x64x128xf32> to vector<1x1x64x128xf32>
    %squeeze3A_157 = vector.shape_cast %slice3A_156 : vector<1x1x64x128xf32> to vector<64x128xf32>
    %add3A_158 = arith.addf %add3A_152, %squeeze3A_157 : vector<64x128xf32>
    %slice3A_159 = vector.extract_strided_slice %reshape3A {offsets = [27, 0, 0, 0], sizes = [1, 1, 64, 128], strides = [1, 1, 1, 1]} : vector<32x2x64x128xf32> to vector<1x1x64x128xf32>
    %squeeze3A_160 = vector.shape_cast %slice3A_159 : vector<1x1x64x128xf32> to vector<64x128xf32>
    %add3A_161 = arith.addf %add3A_155, %squeeze3A_160 : vector<64x128xf32>
    %slice3A_162 = vector.extract_strided_slice %reshape3A {offsets = [27, 1, 0, 0], sizes = [1, 1, 64, 128], strides = [1, 1, 1, 1]} : vector<32x2x64x128xf32> to vector<1x1x64x128xf32>
    %squeeze3A_163 = vector.shape_cast %slice3A_162 : vector<1x1x64x128xf32> to vector<64x128xf32>
    %add3A_164 = arith.addf %add3A_158, %squeeze3A_163 : vector<64x128xf32>
    %slice3A_165 = vector.extract_strided_slice %reshape3A {offsets = [28, 0, 0, 0], sizes = [1, 1, 64, 128], strides = [1, 1, 1, 1]} : vector<32x2x64x128xf32> to vector<1x1x64x128xf32>
    %squeeze3A_166 = vector.shape_cast %slice3A_165 : vector<1x1x64x128xf32> to vector<64x128xf32>
    %add3A_167 = arith.addf %add3A_161, %squeeze3A_166 : vector<64x128xf32>
    %slice3A_168 = vector.extract_strided_slice %reshape3A {offsets = [28, 1, 0, 0], sizes = [1, 1, 64, 128], strides = [1, 1, 1, 1]} : vector<32x2x64x128xf32> to vector<1x1x64x128xf32>
    %squeeze3A_169 = vector.shape_cast %slice3A_168 : vector<1x1x64x128xf32> to vector<64x128xf32>
    %add3A_170 = arith.addf %add3A_164, %squeeze3A_169 : vector<64x128xf32>
    %slice3A_171 = vector.extract_strided_slice %reshape3A {offsets = [29, 0, 0, 0], sizes = [1, 1, 64, 128], strides = [1, 1, 1, 1]} : vector<32x2x64x128xf32> to vector<1x1x64x128xf32>
    %squeeze3A_172 = vector.shape_cast %slice3A_171 : vector<1x1x64x128xf32> to vector<64x128xf32>
    %add3A_173 = arith.addf %add3A_167, %squeeze3A_172 : vector<64x128xf32>
    %slice3A_174 = vector.extract_strided_slice %reshape3A {offsets = [29, 1, 0, 0], sizes = [1, 1, 64, 128], strides = [1, 1, 1, 1]} : vector<32x2x64x128xf32> to vector<1x1x64x128xf32>
    %squeeze3A_175 = vector.shape_cast %slice3A_174 : vector<1x1x64x128xf32> to vector<64x128xf32>
    %add3A_176 = arith.addf %add3A_170, %squeeze3A_175 : vector<64x128xf32>
    %slice3A_177 = vector.extract_strided_slice %reshape3A {offsets = [30, 0, 0, 0], sizes = [1, 1, 64, 128], strides = [1, 1, 1, 1]} : vector<32x2x64x128xf32> to vector<1x1x64x128xf32>
    %squeeze3A_178 = vector.shape_cast %slice3A_177 : vector<1x1x64x128xf32> to vector<64x128xf32>
    %add3A_179 = arith.addf %add3A_173, %squeeze3A_178 : vector<64x128xf32>
    %slice3A_180 = vector.extract_strided_slice %reshape3A {offsets = [30, 1, 0, 0], sizes = [1, 1, 64, 128], strides = [1, 1, 1, 1]} : vector<32x2x64x128xf32> to vector<1x1x64x128xf32>
    %squeeze3A_181 = vector.shape_cast %slice3A_180 : vector<1x1x64x128xf32> to vector<64x128xf32>
    %add3A_182 = arith.addf %add3A_176, %squeeze3A_181 : vector<64x128xf32>
    %slice3A_183 = vector.extract_strided_slice %reshape3A {offsets = [31, 0, 0, 0], sizes = [1, 1, 64, 128], strides = [1, 1, 1, 1]} : vector<32x2x64x128xf32> to vector<1x1x64x128xf32>
    %squeeze3A_184 = vector.shape_cast %slice3A_183 : vector<1x1x64x128xf32> to vector<64x128xf32>
    %add3A_185 = arith.addf %add3A_179, %squeeze3A_184 : vector<64x128xf32>
    %slice3A_186 = vector.extract_strided_slice %reshape3A {offsets = [31, 1, 0, 0], sizes = [1, 1, 64, 128], strides = [1, 1, 1, 1]} : vector<32x2x64x128xf32> to vector<1x1x64x128xf32>
    %squeeze3A_187 = vector.shape_cast %slice3A_186 : vector<1x1x64x128xf32> to vector<64x128xf32>
    %add3A_188 = arith.addf %add3A_182, %squeeze3A_187 : vector<64x128xf32>
    %reduce_sum3A = vector.shape_cast %add3A_188 : vector<64x128xf32> to vector<1x64x128xf32>
    %reduce_sum3A_189 = arith.constant dense<0.000000e+00> : vector<1xf32>
    %reduce_sum3A_190 = vector.multi_reduction <add>, %reduce_sum3A, %reduce_sum3A_189 [1, 2] : vector<1x64x128xf32> to vector<1xf32>
    %reduce_sum3A_191 = vector.shape_cast %reduce_sum3A_190 : vector<1xf32> to vector<1x1x1xf32>
    %reduce_sum3A_192 = vector.extract %reduce_sum3A_191[0, 0, 0] : f32 from vector<1x1x1xf32>
    %reduce_sum3A_193 = vector.shape_cast %add3A_185 : vector<64x128xf32> to vector<1x64x128xf32>
    %reduce_sum3A_194 = arith.constant dense<0.000000e+00> : vector<1xf32>
    %reduce_sum3A_195 = vector.multi_reduction <add>, %reduce_sum3A_193, %reduce_sum3A_194 [1, 2] : vector<1x64x128xf32> to vector<1xf32>
    %reduce_sum3A_196 = vector.shape_cast %reduce_sum3A_195 : vector<1xf32> to vector<1x1x1xf32>
    %reduce_sum3A_197 = vector.extract %reduce_sum3A_196[0, 0, 0] : f32 from vector<1x1x1xf32>
    %iota3A = tpu.iota {dimensions = array<i32: 0>} : vector<64x64xi32>
    %iota3A_198 = tpu.iota {dimensions = array<i32: 1>} : vector<64x64xi32>
    %gt3A = arith.cmpi sgt, %iota3A, %iota3A_198 : vector<64x64xi32>
    %convert_element_type3A = arith.extui %gt3A : vector<64x64xi1> to vector<64x64xi32>
    %convert_element_type3A_199 = arith.sitofp %convert_element_type3A : vector<64x64xi32> to vector<64x64xf32>
    %iota3A_200 = tpu.iota {dimensions = array<i32: 0>} : vector<128x128xi32>
    %iota3A_201 = tpu.iota {dimensions = array<i32: 1>} : vector<128x128xi32>
    %le3A = arith.cmpi sle, %iota3A_200, %iota3A_201 : vector<128x128xi32>
    %convert_element_type3A_202 = arith.extui %le3A : vector<128x128xi1> to vector<128x128xi32>
    %convert_element_type3A_203 = arith.sitofp %convert_element_type3A_202 : vector<128x128xi32> to vector<128x128xf32>
    %broadcast_in_dim3A = arith.constant 1.000000e+00 : f32
    %broadcast_in_dim3A_204 = vector.broadcast %broadcast_in_dim3A : f32 to vector<128x128xf32>
    %dot_general3A = arith.constant dense<0.000000e+00> : vector<64x128xf32>
    %dot_general3A_205 = tpu.matmul %add3A_185, %broadcast_in_dim3A_204, %dot_general3A {dimension_numbers = #tpu.dot_dimension_numbers<[1], [0], [0], [1], [0, 0, 1, 1], [], []>, transpose_lhs_hint = false} : vector<64x128xf32>, vector<128x128xf32>, vector<64x128xf32> -> vector<64x128xf32>
    %dot_general3A_206 = arith.constant dense<0.000000e+00> : vector<64x128xf32>
    %dot_general3A_207 = tpu.matmul %convert_element_type3A_199, %dot_general3A_205, %dot_general3A_206 {dimension_numbers = #tpu.dot_dimension_numbers<[1], [0], [0], [1], [0, 0, 1, 1], [], []>, transpose_lhs_hint = false} : vector<64x64xf32>, vector<64x128xf32>, vector<64x128xf32> -> vector<64x128xf32>
    %dot_general3A_208 = arith.constant dense<0.000000e+00> : vector<64x128xf32>
    %dot_general3A_209 = tpu.matmul %add3A_185, %convert_element_type3A_203, %dot_general3A_208 {dimension_numbers = #tpu.dot_dimension_numbers<[1], [0], [0], [1], [0, 0, 1, 1], [], []>, transpose_lhs_hint = false} : vector<64x128xf32>, vector<128x128xf32>, vector<64x128xf32> -> vector<64x128xf32>
    %add3A_210 = arith.addf %dot_general3A_207, %dot_general3A_209 : vector<64x128xf32>
    %sub3A = vector.broadcast %reduce_sum3A_197 : f32 to vector<64x128xf32>
    %sub3A_211 = arith.subf %sub3A, %add3A_210 : vector<64x128xf32>
    %add3A_212 = arith.addf %sub3A_211, %add3A_185 : vector<64x128xf32>
    %add3A_213 = vector.broadcast %reduce_sum3A_192 : f32 to vector<64x128xf32>
    %add3A_214 = arith.addf %add3A_213, %add3A_212 : vector<64x128xf32>
    %max3A = arith.constant 1.000000e+00 : f32
    %max3A_215 = vector.broadcast %max3A : f32 to vector<64x128xf32>
    %max3A_216 = arith.maximumf %add3A_214, %max3A_215 : vector<64x128xf32>
    %div3A = arith.divf %add3A_212, %max3A_216 : vector<64x128xf32>
    %add3A_217 = vector.broadcast %reduce_sum3A_192 : f32 to vector<64x128xf32>
    %add3A_218 = arith.addf %add3A_217, %sub3A_211 : vector<64x128xf32>
    %max3A_219 = arith.constant 1.000000e+00 : f32
    %max3A_220 = vector.broadcast %max3A_219 : f32 to vector<64x128xf32>
    %max3A_221 = arith.maximumf %add3A_218, %max3A_220 : vector<64x128xf32>
    %div3A_222 = arith.divf %sub3A_211, %max3A_221 : vector<64x128xf32>
    %sub3A_223 = arith.subf %div3A, %div3A_222 : vector<64x128xf32>
    %iota3A_224 = tpu.iota {dimensions = array<i32: 0>} : vector<64x128xi32>
    %mul3A = arith.constant 128 : i32
    %mul3A_225 = vector.broadcast %mul3A : i32 to vector<64x128xi32>
    %mul3A_226 = arith.muli %iota3A_224, %mul3A_225 : vector<64x128xi32>
    %iota3A_227 = tpu.iota {dimensions = array<i32: 1>} : vector<64x128xi32>
    %add3A_228 = arith.addi %mul3A_226, %iota3A_227 : vector<64x128xi32>
    %convert_element_type3A_229 = arith.sitofp %add3A_228 : vector<64x128xi32> to vector<64x128xf32>
    %sub3A_230 = arith.constant 4.096000e+03 : f32
    %sub3A_231 = vector.broadcast %sub3A_230 : f32 to vector<64x128xf32>
    %sub3A_232 = arith.subf %convert_element_type3A_229, %sub3A_231 : vector<64x128xf32>
    %mul3A_233 = arith.constant 0.0029296875 : f32
    %mul3A_234 = vector.broadcast %mul3A_233 : f32 to vector<64x128xf32>
    %mul3A_235 = arith.mulf %sub3A_232, %mul3A_234 : vector<64x128xf32>
    %neg3A = arith.constant 0.000000e+00 : f32
    %neg3A_236 = vector.broadcast %neg3A : f32 to vector<64x128xf32>
    %neg3A_237 = arith.subf %neg3A_236, %mul3A_235 : vector<64x128xf32>
    %exp3A = math.exp %neg3A_237 : vector<64x128xf32>
    %add3A_238 = arith.constant 1.000000e+00 : f32
    %add3A_239 = vector.broadcast %add3A_238 : f32 to vector<64x128xf32>
    %add3A_240 = arith.addf %add3A_239, %exp3A : vector<64x128xf32>
    %div3A_241 = arith.constant 1.000000e+00 : f32
    %div3A_242 = vector.broadcast %div3A_241 : f32 to vector<64x128xf32>
    %div3A_243 = arith.divf %div3A_242, %add3A_240 : vector<64x128xf32>
    %add3A_244 = arith.constant 1.000000e+00 : f32
    %add3A_245 = vector.broadcast %add3A_244 : f32 to vector<64x128xf32>
    %add3A_246 = arith.addf %add3A_245, %div3A_243 : vector<64x128xf32>
    %mul3A_247 = arith.mulf %sub3A_223, %add3A_246 : vector<64x128xf32>
    %reduce_sum3A_248 = vector.shape_cast %mul3A_247 : vector<64x128xf32> to vector<1x64x128xf32>
    %reduce_sum3A_249 = arith.constant dense<0.000000e+00> : vector<1xf32>
    %reduce_sum3A_250 = vector.multi_reduction <add>, %reduce_sum3A_248, %reduce_sum3A_249 [1, 2] : vector<1x64x128xf32> to vector<1xf32>
    %reduce_sum3A_251 = vector.shape_cast %reduce_sum3A_250 : vector<1xf32> to vector<1x1x1xf32>
    %reduce_sum3A_252 = vector.extract %reduce_sum3A_251[0, 0, 0] : f32 from vector<1x1x1xf32>
    %sub3A_253 = arith.constant 1.000000e+00 : f32
    %sub3A_254 = vector.broadcast %sub3A_253 : f32 to vector<64x128xf32>
    %sub3A_255 = arith.subf %sub3A_254, %div3A_243 : vector<64x128xf32>
    %mul3A_256 = arith.mulf %add3A_188, %sub3A_255 : vector<64x128xf32>
    %reduce_sum3A_257 = vector.shape_cast %mul3A_256 : vector<64x128xf32> to vector<1x64x128xf32>
    %reduce_sum3A_258 = arith.constant dense<0.000000e+00> : vector<1xf32>
    %reduce_sum3A_259 = vector.multi_reduction <add>, %reduce_sum3A_257, %reduce_sum3A_258 [1, 2] : vector<1x64x128xf32> to vector<1xf32>
    %reduce_sum3A_260 = vector.shape_cast %reduce_sum3A_259 : vector<1xf32> to vector<1x1x1xf32>
    %reduce_sum3A_261 = vector.extract %reduce_sum3A_260[0, 0, 0] : f32 from vector<1x1x1xf32>
    %div3A_262 = arith.constant 0x4A800000 : f32
    %div3A_263 = arith.divf %reduce_sum3A_261, %div3A_262 : f32
    %add3A_264 = arith.addf %reduce_sum3A_252, %div3A_263 : f32
    %broadcast_in_dim3A_265 = vector.broadcast %add3A_264 : f32 to vector<1x1xf32>
    %swap3A = arith.constant 0 : index
    %swap3A_266 = arith.constant 0 : index
    %swap3A_267 = vector.load %arg1[%swap3A, %swap3A_266] : memref<1x1xf32, #tpu.memory_space<vmem>>, vector<1x1xf32>
    tpu.vector_store %arg1[%swap3A, %swap3A_266], %broadcast_in_dim3A_265 {strides = array<i32>} : memref<1x1xf32, #tpu.memory_space<vmem>>, vector<1x1xf32>,
    return
  }
}

</mosaic_0001>

<sc_bundles>
// kernel: kernel.4.cloned.1.call-start
scs
__scs_entry_jumppad:
0x0: {  	(pc) =	sbr.rel $0x88, $3  }
0x1: {  	(tag) =	ssettag $0x0;
	lr =	simm.s32 $0x1  }
0x2: {  	[smem:$0x3F9F] =	sst lr;
	_ =	strace $0xD0000000  }
0x3: {  	_ = 	snop  }
0x4: {  	_ = 	snop  }
0x5: {  	_ = 	snop  }
0x6: {  	_ = 	snop  }
0x7: {  	_ = 	snop  }
__scs_overlays_trampoline_lowered:
0x8: {  	[smem:$0x3FAE] =	sst s0  }
0x9: {  	[smem:$0x3FAF] =	sst s1  }
0xa: {  	[smem:$0x3FB0] =	sst s2  }
0xb: {  	[smem:$0x3FB1] =	sst s3  }
0xc: {  	[smem:$0x3FB2] =	sst s4  }
0xd: {  	[smem:$0x3FB3] =	sst s5  }
0xe: {  	[smem:$0x3FB4] =	sst s6  }
0xf: {  	[smem:$0x3FB5] =	sst s7  }
0x10: {  	[smem:$0x3FB6] =	sst s8  }
0x11: {  	[smem:$0x3FB7] =	sst s9;
	s0 =	simm.s32 @!p0 $0x0  }
0x12: {  	s1 =	sld [smem:$0x3F9D];
	s0 =	simm.s32 @p0 $0x1  }
0x13: {  	[smem:$0x3FB8] =	sst s0;
	s0 =	simm.s32 @!p1 $0x0  }
0x14: {  	s2 =	sld [smem:$0x3F9C];
	s0 =	simm.s32 @p1 $0x1  }
0x15: {  	[smem:$0x3FB9] =	sst s0;
	s0 =	simm.s32 @!p2 $0x0  }
0x16: {  	s3 =	sld [smem:$0x3FDB];
	s0 =	simm.s32 @p2 $0x1  }
0x17: {  	s4 =	simm.s32 $0x1BF5;
	[smem:$0x3FBB] =	sst s0  }
0x18: {  	s0 =	sld [smem:$0x3F9E];
	_ =	swait.ge [sflag:s4], $0x0  }
0x19: {  	s7 =	sld [smem:$0x3F9F]  }
0x1a: {  	s8 =	sadd.s32 $0xFFFFE003, lr  }
0x1b: {  	s9 =	sadd.s32 $0xFFFFFEF7, lr;
	s5 =	simm.s32 $0xFFFFFFFF;
	p2 =	slt.u32 s8, $0xFFFFF086  }
0x1c: {  	p1 =	slt.u32 s9, $0xF7A;
	s5 =	simm.s32 @!p2 $0x0  }
0x1d: {  	s5 =	simm.s32 @p1 $0x1;
	p0 =	seq.s32 s7, s2  }
0x1e: {  	s7 =	smul.u32 @!p0 $0xF7A, s2;
	p2 =	seq.s32 @!p0 s5, $0x0  }
0x1f: {  	s9 =	smul.u32 $0xF7A, s1;
	s8 =	simm.s32 @!p0 $0x1BF5;
	p2 =	por !p2, p0  }
0x20: {  	[sflag:s8] =	ssyncset.s32 @!p0 $0xFFFFF086;
	s6 =	sadd.s32 @!p0 s3, s7;
	s7 =	simm.s32 @!p0 $0x108  }
0x21: {  	s3 =	sadd.s32 s3, s9;
	s6 =	sadd.s32 @!p0 $0x88, s6;
	s7 =	simm.s32 @p2 $0x1082  }
0x22: {  	[simem:s7], [sflag:s8] =	dma.local @!p0 [hbm:s6], $0xF7A  }
0x23: {  	s9 =	sor.u32 $0xD0000000, s2;
	s6 =	simm.s32 $0x108;
	_ =	swait.ge @!p0 [sflag:s8], $0x0  }
0x24: {  	s3 =	sadd.s32 $0x88, s3;
	s6 =	simm.s32 @!p1 $0x1082;
	[sflag:s4] =	ssyncset.s32 $0xFFFFF086  }
0x25: {  	[simem:s6], [sflag:s4] =	dma.local [hbm:s3], $0xF7A  }
0x26: {  	[smem:$0x3F9F] =	sst s1;
	(tag) =	ssettag s2;
	_ =	strace s9  }
0x27: {  	s1 =	sld [smem:$0x3FAF]  }
0x28: {  	s2 =	sld [smem:$0x3FB0]  }
0x29: {  	s4 =	sld [smem:$0x3FB2]  }
0x2a: {  	p0 =	seq.s32 s5, $0x0;
	s5 =	sld [smem:$0x3FB3]  }
0x2b: {  	s6 =	sld [smem:$0x3FB4]  }
0x2c: {  	s7 =	sld [smem:$0x3FB5]  }
0x2d: {  	s3 =	simm.s32 $0x108;
	s8 =	sld [smem:$0x3FB6]  }
0x2e: {  	s3 =	simm.s32 @!p0 $0x1082;
	s9 =	sld [smem:$0x3FB7]  }
0x2f: {  	lr =	sadd.s32 s0, s3;
	s0 =	sld [smem:$0x3FAE]  }
0x30: {  	s3 =	sld [smem:$0x3FB1]  }
0x31: {  	[smem:$0x3FBA] =	sst s10  }
0x32: {  	s10 =	sld [smem:$0x3FB8];
	_ =	sdelay $0x3  }
0x33: {  	p0 =	seq.s32 s10, $0x1;
	s10 =	sld [smem:$0x3FBA];
	_ =	sdelay $0x3  }
0x34: {  	[smem:$0x3FBA] =	sst s10  }
0x35: {  	s10 =	sld [smem:$0x3FB9];
	_ =	sdelay $0x3  }
0x36: {  	p1 =	seq.s32 s10, $0x1;
	s10 =	sld [smem:$0x3FBA];
	_ =	sdelay $0x3  }
0x37: {  	[smem:$0x3FBA] =	sst s10  }
0x38: {  	s10 =	sld [smem:$0x3FBB]  }
0x39: {  	_ = 	snop;
	(pc) =	sbr.ind lr, $3  }
0x3a: {  	_ = 	snop  }
0x3b: {  	_ = 	snop  }
0x3c: {  	p2 =	seq.s32 s10, $0x1;
	s10 =	sld [smem:$0x3FBA]  }
0x3d: {  	_ =	shalt  }
0x3e: {  	_ =	shalt  }
0x3f: {  	_ =	shalt  }
0x40: {  	_ =	shalt  }
0x41: {  	_ =	shalt  }
0x42: {  	_ =	shalt  }
0x43: {  	_ =	shalt  }
0x44: {  	_ =	shalt  }
0x45: {  	_ =	shalt  }
0x46: {  	_ =	shalt  }
0x47: {  	_ =	shalt  }
0x48: {  	_ =	shalt  }
0x49: {  	_ =	shalt  }
0x4a: {  	_ =	shalt  }
0x4b: {  	_ =	shalt  }
0x4c: {  	_ =	shalt  }
0x4d: {  	_ =	shalt  }
0x4e: {  	_ =	shalt  }
0x4f: {  	_ =	shalt  }
0x50: {  	_ =	shalt  }
0x51: {  	_ =	shalt  }
0x52: {  	_ =	shalt  }
0x53: {  	_ =	shalt  }
0x54: {  	_ =	shalt  }
0x55: {  	_ =	shalt  }
0x56: {  	_ =	shalt  }
0x57: {  	_ =	shalt  }
0x58: {  	_ =	shalt  }
0x59: {  	_ =	shalt  }
0x5a: {  	_ =	shalt  }
0x5b: {  	_ =	shalt  }
0x5c: {  	_ =	shalt  }
0x5d: {  	_ =	shalt  }
0x5e: {  	_ =	shalt  }
0x5f: {  	_ =	shalt  }
0x60: {  	_ =	shalt  }
0x61: {  	_ =	shalt  }
0x62: {  	_ =	shalt  }
0x63: {  	_ =	shalt  }
0x64: {  	_ =	shalt  }
0x65: {  	_ =	shalt  }
0x66: {  	_ =	shalt  }
0x67: {  	_ =	shalt  }
0x68: {  	_ =	shalt  }
0x69: {  	_ =	shalt  }
0x6a: {  	_ =	shalt  }
0x6b: {  	_ =	shalt  }
0x6c: {  	_ =	shalt  }
0x6d: {  	_ =	shalt  }
0x6e: {  	_ =	shalt  }
0x6f: {  	_ =	shalt  }
0x70: {  	_ =	shalt  }
0x71: {  	_ =	shalt  }
0x72: {  	_ =	shalt  }
0x73: {  	_ =	shalt  }
0x74: {  	_ =	shalt  }
0x75: {  	_ =	shalt  }
0x76: {  	_ =	shalt  }
0x77: {  	_ =	shalt  }
0x78: {  	_ =	shalt  }
0x79: {  	_ =	shalt  }
0x7a: {  	_ =	shalt  }
0x7b: {  	_ =	shalt  }
0x7c: {  	_ =	shalt  }
0x7d: {  	_ =	shalt  }
0x7e: {  	_ =	shalt  }
0x7f: {  	_ =	shalt  }
0x80: {  	_ =	shalt  }
0x81: {  	_ =	shalt  }
0x82: {  	_ =	shalt  }
0x83: {  	_ =	shalt  }
0x84: {  	_ =	shalt  }
0x85: {  	_ =	shalt  }
0x86: {  	_ =	shalt  }
0x87: {  	_ =	shalt  }
.Lfunc_end0:
.L_simem_size_0:
called_computation_lowered:
.L_overlay_start_0:
0x88: {  	s2 =	sld [smem:$0x3FD9]  }
0x89: {  	s3 =	sld [smem:$0x3FFE];
	_ =	sdelay $0x1  }
0x8a: {  	s1 =	srdreg.scid  }
0x8b: {  	s0 =	sand.u32 $0x1, s1  }
0x8c: {  	s17 =	sshll.u32 s0, $0xA;
	s2 =	sadd.s32 s3, s2  }
0x8d: {  	s2 =	sadd.s32 s2, s17  }
0x8e: {  	[smem:$0x3FC6] =	sst s2  }
0x8f: {  	_ = 	snop  }
0x90: {  	s2 =	sld [smem:$0x3FC9]  }
0x91: {  	s18 =	sld [smem:$0x3FC8];
	(tm) =	ssettm $0x1  }
0x92: {  	s4 =	sld [smem:$0x3FFB];
	_ =	sdelay $0x3  }
0x93: {  	_ =	strace s4  }
0x94: {  	s4 =	sld [smem:$0x3FFC];
	_ =	sdelay $0x3  }
0x95: {  	_ =	strace s4  }
0x96: {  	s4 =	sld [smem:$0x3FFD];
	_ =	sdelay $0x3  }
0x97: {  	_ =	strace s4  }
0x98: {  	_ =	strace $0x8FFFFFFF  }
0x99: {  	s19 =	sld [smem:$0x3FDB];
	_ =	sdelay $0x1  }
0x9a: {  	s5 =	simm.s32 $_scs_section_size  }
0x9b: {  	s6 =	simm.s32 $_size__tile_overlayer_lowered;
	s7 =	simm.s32 $_tile_overlayer_lowered  }
0x9c: {  	s22 =	simm.s32 $0x1BFF;
	s21 =	sshll.u32 s7, $0x1;
	s4 =	sadd.s32 s5, s19  }
0x9d: {  	s8 =	simm.s32 $0x0;
	s20 =	sshll.u32 s6, $0x1;
	s6 =	sadd.s32 s21, s4  }
0x9e: {  	[timem:s8], [sflag:s22] =	dma.local [hbm:s6], s20  }
0x9f: {  	_ =	swait.ge [sflag:s22], s20  }
0xa0: {  	s5 =	ssub.s32 $0x0, s20;
	[sflag:s22] =	ssyncset.done $0x0  }
0xa1: {  	[sflag:s22] =	ssyncadd.s32 s5;
	_ =	sdelay $0x1  }
0xa2: {  	s23 =	simm.s32 $0x1B8B  }
0xa3: {  	_ =	swait.ge [sflag:s23], $0x1  }
0xa4: {  	[sflag:s23] =	ssyncset.done $0x0  }
0xa5: {  	s25 =	simm.s32 $0x1B8E;
	s24 =	sld [smem:$0x3FFE];
	[sflag:s23] =	ssyncadd.s32 $0xFFFFFFFF  }
0xa6: {  	s26 =	simm.s32 $execute0_lowered;
	[smem:$0x3FD2] =	sst s25  }
0xa7: {  	s6 =	sshll.u32 s26, $0x1;
	_ =	strace $0x80000046;
	[dreg:$0x1] =	wrdreg $0xFFFFFFFF  }
0xa8: {  	s28 =	simm.s32 $_size_execute0_lowered;
	s4 =	sadd.s32 s4, s6;
	[dreg:$0x0] =	wrdreg $0x0  }
0xa9: {  	s6 =	sshll.u32 s28, $0x1;
	[dreg:$0x2] =	wrdreg s4  }
0xaa: {  	[dreg:$0x3] =	wrdreg s6  }
0xab: {  	[dreg:$0x4] =	wrdreg $0xC0  }
0xac: {  	_ =	task [dreg:s8], $0x5FFFF  }
0xad: {  	[dreg:$0x1] =	wrdreg $0xFFFFFFFF  }
0xae: {  	[dreg:$0x0] =	wrdreg $0x60  }
0xaf: {  	[dreg:$0x2] =	wrdreg s2  }
0xb0: {  	[dreg:$0x3] =	wrdreg s18  }
0xb1: {  	[dreg:$0x4] =	wrdreg s24  }
0xb2: {  	[dreg:$0x5] =	wrdreg $0x9  }
0xb3: {  	_ =	task.clear_ibuf [dreg:s8], $0x6FFFF;
	_ =	strace $0x90000046  }
0xb4: {  	s29 =	simm.s32 $0x9;
	_ =	strace $0x80000048  }
0xb5: {  	_ =	swait.ge [sflag:s29], $0x1  }
0xb6: {  	[sflag:s29] =	ssyncadd.s32 $0xFFFFFFFF  }
0xb7: {  	_ =	strace $0x90000048  }
0xb8: {  	_ =	sfence  }
0xb9: {  	s30 =	sld [smem:$0x0];
	_ =	sdelay $0x2  }
0xba: {  	s31 =	sshll.u32 s1, $0xD;
	s1 =	sshrl.u32 s1, $0x2  }
0xbb: {  	s3 =	sand.u32 $0x4000, s31;
	s1 =	sadd.s32 s1, s30  }
0xbc: {  	s0 =	sor.u32 s3, s0;
	s1 =	sshll.u32 s1, $0x11  }
0xbd: {  	s0 =	sor.u32 s1, s0  }
0xbe: {  	s0 =	sadd.s32 $0x8F2B, s0  }
0xbf: {  	[sflag:s0] =	ssyncadd.remote.s32 $0x1  }
0xc0: {  	_ =	sfence.sel $0xFFFF  }
0xc1: {  	[dreg:$0x0] =	wrdreg $0xFFFFFFFF;
	(pc) =	sbr.abs _section_cstart, $3  }
0xc2: {  	[dreg:$0x1] =	wrdreg $0xFFFFFFFF  }
0xc3: {  	_ =	task.clear_ibuf [dreg:s8], $0x2FFFF;
	_ =	strace $0x9FFFFFFF  }
0xc4: {  	(tm) =	ssettm $0x7FFFFFFF  }
0xc5: {  	_ =	shalt  }
tec
execute0_lowered:
.L_overlay_start_1:
0x0: {  	(tag) =	ssettag $0x1  }
0x1: {  	s0 =	srdreg.scid  }
0x2: {  	s6 =	stileid.u32;
	s2 =	rddreg [dreg:$0x0]  }
0x3: {  	s4 =	rddreg [dreg:$0x1];
	s0 =	sand.u32 $0x1, s0;
	s1 =	sshll.u32 s6, $0x1  }
0x4: {  	s3 =	rddreg [dreg:$0x2];
	s5 =	simm.s32 $0x1;
	s1 =	sor.u32 s0, s1  }
0x5: {  	s7 =	simm.s32 $0x0;
	p1 =	seq.s32 s0, $0x1;
	p0 =	seq.s32 s1, $0x0  }
0x6: {  	s28 =	simm.s32 $0x3;
	s29 =	simm.s32 $0x4;
	p0 =	por !p0, !p1  }
0x7: {  	s30 =	simm.s32 $0x5;
	[smem:$0x7FF] =	sst s7;
	p0 =	por !p0, !p0  }
0x8: {  	s31 =	simm.s32 $0x0;
	_ =	strace $0x80000047;
	s5 =	simm.s32 @!p0 $0x0  }
0x9: {  	s21 =	sshll.u32 s0, $0x11;
	s0 =	ssub.s32 $0x2, s0;
	s5 =	ssub.s32 s6, s5  }
0xa: {  	s1 =	sshll.u32 s1, $0xB;
	s22 =	sshrl.u32 s0, $0x1;
	s5 =	sshll.u32 s5, $0x12  }
0xb: {  	s1 =	sadd.s32 s1, s3;
	s0 =	ssub.s32 s0, s22;
	s5 =	sor.u32 s21, s5  }
0xc: {  	s3 =	simm.s32 $0x1;
	s22 =	simm.s32 $0x4000;
	s16 =	sshrl.u32 s5, $0x3  }
0xd: {  	s20 =	sadd.s32 $0x600, s1;
	s21 =	smax.u32 s0, $0x1;
	s23 =	sor.u32 $0x800, s16  }
0xe: {  	s5 =	sadd.s32 s2, s16;
	s24 =	sadd.s32 s4, s16;
	s9 =	sor.u32 $0x1000, s16  }
0xf: {  	s11 =	sor.u32 $0x1800, s16;
	s13 =	sor.u32 $0x2000, s16;
	s15 =	sor.u32 $0x2800, s16  }
0x10: {  	s17 =	sor.u32 $0x3000, s16;
	s19 =	sor.u32 $0x3800, s16;
	[dreg:$0x4] =	wrdreg s5  }
0x11: {  	[dreg:$0x5] =	wrdreg s24;
	s25 =	sadd.s32 s2, s23;
	s26 =	sadd.s32 s4, s23  }
0x12: {  	s8 =	sadd.s32 s2, s9;
	s9 =	sadd.s32 s4, s9;
	s10 =	sadd.s32 s2, s11  }
0x13: {  	s11 =	sadd.s32 s4, s11;
	s12 =	sadd.s32 s2, s13;
	s13 =	sadd.s32 s4, s13  }
0x14: {  	s14 =	sadd.s32 s2, s15;
	s15 =	sadd.s32 s4, s15;
	s16 =	sadd.s32 s2, s17  }
0x15: {  	s17 =	sadd.s32 s4, s17;
	s18 =	sadd.s32 s2, s19;
	s19 =	sadd.s32 s4, s19  }
0x16: {  	s23 =	simm.s32 $0x2;
	s24 =	simm.s32 $0x8000;
	[dreg:$0x6] =	wrdreg s25  }
0x17: {  	v0 =	vimm.f32 $0.0e+00;
	v1 =	vimm.f32 $1.000000000e+00;
	[dreg:$0x7] =	wrdreg s26;
	s25 =	simm.s32 $0xC000;
	s26 =	simm.s32 $0x10000  }
.LBB2_1:
0x18: {  	s1 =	simm.s32 $0x0  }
0x19: {  	s0 =	simm.s32 $0x10;
	s1 =	sand.u32 $0x3FF0, s1  }
.LBB2_2:
0x1a: {  	p0 =	sne.s32 s0, $0x3FF0;
	[tilespmem:s1+$0x10000] =	vst v0;
	s1 =	smov.u32 s0;
	s0 =	sadd.s32 $0x10, s0  }
.Ltmp0:
0x1b: {  	(pc) =	sbr.rel @p0 .LBB2_2-.Ltmp0, $2  }
0x1c: {  	_ =	sdelay $0x2  }
0x1d: {  	s1 =	sand.u32 $0x3FF0, s1  }
0x1e: {  	[tilespmem:s1+$0x10000] =	vst v0  }
0x1f: {  	s0 =	simm.s32 $0x0;
	s1 =	rddreg [dreg:$0x4]  }
0x20: {  	[tilespmem:s0], [sflag:$0x1] =	stream.linear.gather [hbm4b:s1+s0], $0x4000, $0x38;
	[tilespmem:$0x14000] =	vst v63  }
0x21: {  	s6 =	rddreg [dreg:$0x5]  }
0x22: {  	[tilespmem:s22], [sflag:$0x2] =	stream.linear.gather [hbm4b:s6+s0], $0x4000, $0x38;
	[tilespmem:$0x14000] =	vst v63  }
0x23: {  	_ =	swait.ge [sflag:s3], $0x4000  }
0x24: {  	[sflag:s3] =	ssyncset.done $0x0  }
0x25: {  	[sflag:s3] =	ssyncadd.s32 $0xFFFFC000  }
0x26: {  	_ =	swait.ge [sflag:s23], $0x4000  }
0x27: {  	[sflag:s23] =	ssyncset.done $0x0  }
0x28: {  	s7 =	rddreg [dreg:$0x6];
	[sflag:s23] =	ssyncadd.s32 $0xFFFFC000  }
0x29: {  	[tilespmem:s24], [sflag:$0x3] =	stream.linear.gather [hbm4b:s7+s0], $0x4000, $0x38;
	[tilespmem:$0x14000] =	vst v63  }
0x2a: {  	s4 =	simm.s32 $0x0;
	s2 =	rddreg [dreg:$0x7]  }
0x2b: {  	[tilespmem:s25], [sflag:$0x4] =	stream.linear.gather [hbm4b:s2+s0], $0x4000, $0x38;
	[tilespmem:$0x14000] =	vst v63  }
0x2c: {  	s1 =	sand.u32 $0x3000, s4;
	s4 =	simm.s32 $0x0;
	s2 =	sand.u32 $0xC00, s0  }
0x2d: {  	s5 =	sand.u32 $0x380, s4;
	s1 =	sor.u32 s2, s1  }
0x2e: {  	s0 =	sand.u32 $0x40, s0;
	s1 =	sor.u32 s5, s1  }
0x2f: {  	s2 =	sor.u32 s0, s1  }
0x30: {  	v2 =	vld [tilespmem:s2+$0x30];
	_ =	sdelay $0x1  }
0x31: {  	v3 =	vld [tilespmem:s2+$0x0]  }
0x32: {  	v4 =	vld [tilespmem:s2+$0x10]  }
0x33: {  	v5 =	vld [tilespmem:s2+$0x20]  }
0x34: {  	v6 =	vld [tilespmem:s2+$0x4030];
	v2 =	vmul.f32 $3.413333440e+02, v2;
	_ =	sdelay $0x1  }
0x35: {  	s6 =	simm.s32 $0x40;
	s1 =	simm.s32 $0x200;
	v8 =	vld [tilespmem:s2+$0x4010];
	v2 =	vadd.f32 $1.258700800e+07, v2  }
0x36: {  	s5 =	simm.s32 $0x10;
	s0 =	sand.u32 $0x3000, s6;
	s7 =	sand.u32 $0xC00, s1;
	v3 =	vmul.f32 $3.413333440e+02, v3  }
0x37: {  	s5 =	sand.u32 $0x380, s5;
	v7 =	vld [tilespmem:s2+$0x4000];
	s4 =	sor.u32 s7, s0;
	s0 =	simm.s32 $0x40;
	v4 =	vmul.f32 $3.413333440e+02, v4;
	v5 =	vmul.f32 $3.413333440e+02, v5;
	v2 =	vmax.f32 v2, $1.258291200e+07  }
0x38: {  	s6 =	sand.u32 $0x40, s0;
	s4 =	sor.u32 s5, s4;
	v6 =	vshll.u32 v6, $0xD;
	v3 =	vadd.f32 $1.258700800e+07, v3;
	v2 =	vmin.f32 v2, $1.259110300e+07  }
0x39: {  	v9 =	vld [tilespmem:s2+$0x4020];
	s2 =	sor.u32 s6, s4;
	v4 =	vadd.f32 $1.258700800e+07, v4;
	v5 =	vadd.f32 $1.258700800e+07, v5;
	v2 =	vand.u32 $0x1FFF, v2  }
0x3a: {  	v10 =	vld [tilespmem:s2+$0x30];
	v13 =	vshll.u32 v8, $0xD;
	v11 =	vor.u32 v6, v2  }
0x3b: {  	v3 =	vmax.f32 v3, $1.258291200e+07;
	v4 =	vmax.f32 v4, $1.258291200e+07;
	v5 =	vmax.f32 v5, $1.258291200e+07;
	v6 =	vld [tilespmem:s2+$0x0]  }
0x3c: {  	v3 =	vmin.f32 v3, $1.259110300e+07;
	v4 =	vmin.f32 v4, $1.259110300e+07;
	v2 =	vshll.u32 v7, $0xD;
	v7 =	vld [tilespmem:s2+$0x10]  }
0x3d: {  	v12 =	vmin.f32 v5, $1.259110300e+07;
	v5 =	vld [tilespmem:s2+$0x20];
	v3 =	vand.u32 $0x1FFF, v3;
	v14 =	vand.u32 $0x1FFF, v4  }
0x3e: {  	v8 =	vld [tilespmem:s2+$0x4000];
	v12 =	vand.u32 $0x1FFF, v12;
	v4 =	vor.u32 v2, v3;
	v2 =	vshll.u32 v9, $0xD  }
0x3f: {  	s4 =	simm.s32 $0x4;
	v3 =	vor.u32 v13, v14;
	v9 =	vmul.f32 $3.413333440e+02, v10;
	v2 =	vor.u32 v2, v12;
	[tilespmem:v11+s26+$0x0] =	vst.idx.add.f32.msk $0xffff, v1  }
.LBB2_4:
0x40: {  	s4 =	sadd.s32 $0x4, s4;
	v6 =	vmul.f32 $3.413333440e+02, v6;
	v10 =	vld [tilespmem:s2+$0x4030]  }
0x41: {  	s1 =	sadd.s32 $0x200, s1;
	s5 =	sshll.u32 s4, $0x4;
	p0 =	slt.u32 s4, $0x3FC;
	v11 =	vld [tilespmem:s2+$0x4010];
	v7 =	vmul.f32 $3.413333440e+02, v7;
	v9 =	vadd.f32 $1.258700800e+07, v9  }
0x42: {  	s6 =	sand.u32 $0xC00, s1;
	s7 =	sshll.u32 s4, $0x2;
	s5 =	sand.u32 $0x3000, s5;
	v6 =	vadd.f32 $1.258700800e+07, v6;
	v12 =	vld [tilespmem:s2+$0x4020];
	v5 =	vmul.f32 $3.413333440e+02, v5  }
0x43: {  	s0 =	sadd.s32 $0x40, s0;
	s2 =	sor.u32 s6, s5;
	s5 =	sand.u32 $0x380, s7;
	v8 =	vshll.u32 v8, $0xD;
	v7 =	vadd.f32 $1.258700800e+07, v7;
	v9 =	vmax.f32 v9, $1.258291200e+07;
	[tilespmem:v4+s26+$0x0] =	vst.idx.add.f32.msk $0xffff, v1  }
0x44: {  	s6 =	sand.u32 $0x40, s0;
	s2 =	sor.u32 s5, s2;
	v4 =	vmax.f32 v6, $1.258291200e+07;
	v5 =	vadd.f32 $1.258700800e+07, v5;
	v6 =	vmin.f32 v9, $1.259110300e+07;
	[tilespmem:v3+s26+$0x0] =	vst.idx.add.f32.msk $0xffff, v1  }
0x45: {  	s2 =	sor.u32 s6, s2;
	v3 =	vmax.f32 v7, $1.258291200e+07;
	v7 =	vshll.u32 v10, $0xD;
	v6 =	vand.u32 $0x1FFF, v6;
	[tilespmem:v2+s26+$0x0] =	vst.idx.add.f32.msk $0xffff, v1  }
0x46: {  	v2 =	vmin.f32 v4, $1.259110300e+07;
	v9 =	vld [tilespmem:s2+$0x30];
	v4 =	vmax.f32 v5, $1.258291200e+07;
	v10 =	vor.u32 v7, v6  }
.Ltmp1:
0x47: {  	v2 =	vand.u32 $0x1FFF, v2;
	v3 =	vmin.f32 v3, $1.259110300e+07;
	v6 =	vld [tilespmem:s2+$0x0];
	v4 =	vmin.f32 v4, $1.259110300e+07;
	(pc) =	sbr.rel @p0 .LBB2_4-.Ltmp1, $4  }
0x48: {  	v11 =	vshll.u32 v11, $0xD;
	v3 =	vand.u32 $0x1FFF, v3;
	v7 =	vld [tilespmem:s2+$0x10];
	v13 =	vand.u32 $0x1FFF, v4  }
0x49: {  	v4 =	vor.u32 v8, v2;
	v3 =	vor.u32 v11, v3;
	v2 =	vshll.u32 v12, $0xD;
	v5 =	vld [tilespmem:s2+$0x20]  }
0x4a: {  	v2 =	vor.u32 v2, v13;
	v8 =	vld [tilespmem:s2+$0x4000]  }
0x4b: {  	v9 =	vmul.f32 $3.413333440e+02, v9;
	[tilespmem:v10+s26+$0x0] =	vst.idx.add.f32.msk $0xffff, v1  }
0x4c: {  	v6 =	vmul.f32 $3.413333440e+02, v6;
	v10 =	vld [tilespmem:s2+$0x4030]  }
0x4d: {  	v7 =	vmul.f32 $3.413333440e+02, v7;
	v9 =	vadd.f32 $1.258700800e+07, v9  }
0x4e: {  	v11 =	vld [tilespmem:s2+$0x4010];
	v6 =	vadd.f32 $1.258700800e+07, v6;
	v5 =	vmul.f32 $3.413333440e+02, v5  }
0x4f: {  	v8 =	vshll.u32 v8, $0xD;
	v7 =	vadd.f32 $1.258700800e+07, v7;
	v9 =	vmax.f32 v9, $1.258291200e+07  }
0x50: {  	v12 =	vld [tilespmem:s2+$0x4020];
	v6 =	vmax.f32 v6, $1.258291200e+07;
	v5 =	vadd.f32 $1.258700800e+07, v5;
	v9 =	vmin.f32 v9, $1.259110300e+07  }
0x51: {  	v7 =	vmax.f32 v7, $1.258291200e+07;
	v10 =	vshll.u32 v10, $0xD;
	v9 =	vand.u32 $0x1FFF, v9  }
0x52: {  	v6 =	vmin.f32 v6, $1.259110300e+07;
	v5 =	vmax.f32 v5, $1.258291200e+07;
	v9 =	vor.u32 v10, v9  }
0x53: {  	v6 =	vand.u32 $0x1FFF, v6;
	v7 =	vmin.f32 v7, $1.259110300e+07;
	v10 =	vshll.u32 v11, $0xD  }
0x54: {  	v5 =	vmin.f32 v5, $1.259110300e+07;
	v7 =	vand.u32 $0x1FFF, v7;
	v6 =	vor.u32 v8, v6  }
0x55: {  	[tilespmem:v4+s26+$0x0] =	vst.idx.add.f32.msk $0xffff, v1;
	v4 =	vand.u32 $0x1FFF, v5;
	v5 =	vor.u32 v10, v7;
	v7 =	vshll.u32 v12, $0xD  }
0x56: {  	[tilespmem:v3+s26+$0x0] =	vst.idx.add.f32.msk $0xffff, v1;
	v3 =	vor.u32 v7, v4  }
0x57: {  	[tilespmem:v2+s26+$0x0] =	vst.idx.add.f32.msk $0xffff, v1  }
0x58: {  	[tilespmem:v9+s26+$0x0] =	vst.idx.add.f32.msk $0xffff, v1  }
0x59: {  	[tilespmem:v6+s26+$0x0] =	vst.idx.add.f32.msk $0xffff, v1  }
0x5a: {  	[tilespmem:v5+s26+$0x0] =	vst.idx.add.f32.msk $0xffff, v1  }
0x5b: {  	[tilespmem:v3+s26+$0x0] =	vst.idx.add.f32.msk $0xffff, v1  }
0x5c: {  	_ =	swait.ge [sflag:s28], $0x4000  }
0x5d: {  	[sflag:s28] =	ssyncset.done $0x0  }
0x5e: {  	[sflag:s28] =	ssyncadd.s32 $0xFFFFC000  }
0x5f: {  	s0 =	simm.s32 $0x0;
	_ =	swait.ge [sflag:s29], $0x4000  }
0x60: {  	s1 =	simm.s32 $0x0;
	s4 =	simm.s32 $0x0;
	[sflag:s29] =	ssyncset.done $0x0  }
0x61: {  	s1 =	sand.u32 $0x3000, s1;
	s7 =	sand.u32 $0xC00, s0;
	[sflag:s29] =	ssyncadd.s32 $0xFFFFC000  }
0x62: {  	[tilespmem:s0], [sflag:$0x1] =	stream.linear.gather [hbm4b:s8+s0], $0x4000, $0x38;
	[tilespmem:$0x14000] =	vst v63  }
0x63: {  	s5 =	sand.u32 $0x380, s4;
	s1 =	sor.u32 s7, s1  }
0x64: {  	[tilespmem:s22], [sflag:$0x2] =	stream.linear.gather [hbm4b:s9+s0], $0x4000, $0x38;
	[tilespmem:$0x14000] =	vst v63  }
0x65: {  	s1 =	sor.u32 s5, s1;
	s0 =	sand.u32 $0x40, s0  }
0x66: {  	s2 =	sor.u32 s0, s1  }
0x67: {  	v2 =	vld [tilespmem:s2+$0x8030];
	_ =	sdelay $0x1  }
0x68: {  	v3 =	vld [tilespmem:s2+$0x8000]  }
0x69: {  	v4 =	vld [tilespmem:s2+$0x8010]  }
0x6a: {  	v5 =	vld [tilespmem:s2+$0x8020]  }
0x6b: {  	v6 =	vld [tilespmem:s2+$0xC030];
	v2 =	vmul.f32 $3.413333440e+02, v2;
	_ =	sdelay $0x1  }
0x6c: {  	s6 =	simm.s32 $0x40;
	s1 =	simm.s32 $0x200;
	v8 =	vld [tilespmem:s2+$0xC010];
	v2 =	vadd.f32 $1.258700800e+07, v2  }
0x6d: {  	s5 =	simm.s32 $0x10;
	s0 =	sand.u32 $0x3000, s6;
	s7 =	sand.u32 $0xC00, s1;
	v3 =	vmul.f32 $3.413333440e+02, v3  }
0x6e: {  	s5 =	sand.u32 $0x380, s5;
	v7 =	vld [tilespmem:s2+$0xC000];
	s4 =	sor.u32 s7, s0;
	s0 =	simm.s32 $0x40;
	v4 =	vmul.f32 $3.413333440e+02, v4;
	v5 =	vmul.f32 $3.413333440e+02, v5;
	v2 =	vmax.f32 v2, $1.258291200e+07  }
0x6f: {  	s6 =	sand.u32 $0x40, s0;
	s4 =	sor.u32 s5, s4;
	v6 =	vshll.u32 v6, $0xD;
	v3 =	vadd.f32 $1.258700800e+07, v3;
	v2 =	vmin.f32 v2, $1.259110300e+07  }
0x70: {  	v9 =	vld [tilespmem:s2+$0xC020];
	s2 =	sor.u32 s6, s4;
	v4 =	vadd.f32 $1.258700800e+07, v4;
	v5 =	vadd.f32 $1.258700800e+07, v5;
	v2 =	vand.u32 $0x1FFF, v2  }
0x71: {  	v10 =	vld [tilespmem:s2+$0x8030];
	v13 =	vshll.u32 v8, $0xD;
	v11 =	vor.u32 v6, v2  }
0x72: {  	v3 =	vmax.f32 v3, $1.258291200e+07;
	v4 =	vmax.f32 v4, $1.258291200e+07;
	v5 =	vmax.f32 v5, $1.258291200e+07;
	v6 =	vld [tilespmem:s2+$0x8000]  }
0x73: {  	v3 =	vmin.f32 v3, $1.259110300e+07;
	v4 =	vmin.f32 v4, $1.259110300e+07;
	v2 =	vshll.u32 v7, $0xD;
	v7 =	vld [tilespmem:s2+$0x8010]  }
0x74: {  	v63 =	vmin.f32 v5, $1.259110300e+07;
	v5 =	vld [tilespmem:s2+$0x8020];
	v3 =	vand.u32 $0x1FFF, v3;
	v14 =	vand.u32 $0x1FFF, v4  }
0x75: {  	v8 =	vld [tilespmem:s2+$0xC000];
	v12 =	vand.u32 $0x1FFF, v63;
	v4 =	vor.u32 v2, v3;
	v2 =	vshll.u32 v9, $0xD  }
0x76: {  	s4 =	simm.s32 $0x4;
	v3 =	vor.u32 v13, v14;
	v9 =	vmul.f32 $3.413333440e+02, v10;
	v2 =	vor.u32 v2, v12;
	[tilespmem:v11+s26+$0x0] =	vst.idx.add.f32.msk $0xffff, v1  }
.LBB2_6:
0x77: {  	s4 =	sadd.s32 $0x4, s4;
	v6 =	vmul.f32 $3.413333440e+02, v6;
	v10 =	vld [tilespmem:s2+$0xC030]  }
0x78: {  	s1 =	sadd.s32 $0x200, s1;
	s5 =	sshll.u32 s4, $0x4;
	p0 =	slt.u32 s4, $0x3FC;
	v11 =	vld [tilespmem:s2+$0xC010];
	v7 =	vmul.f32 $3.413333440e+02, v7;
	v9 =	vadd.f32 $1.258700800e+07, v9  }
0x79: {  	s6 =	sand.u32 $0xC00, s1;
	s7 =	sshll.u32 s4, $0x2;
	s5 =	sand.u32 $0x3000, s5;
	v6 =	vadd.f32 $1.258700800e+07, v6;
	v12 =	vld [tilespmem:s2+$0xC020];
	v5 =	vmul.f32 $3.413333440e+02, v5  }
0x7a: {  	s0 =	sadd.s32 $0x40, s0;
	s2 =	sor.u32 s6, s5;
	s5 =	sand.u32 $0x380, s7;
	v8 =	vshll.u32 v8, $0xD;
	v7 =	vadd.f32 $1.258700800e+07, v7;
	v9 =	vmax.f32 v9, $1.258291200e+07;
	[tilespmem:v4+s26+$0x0] =	vst.idx.add.f32.msk $0xffff, v1  }
0x7b: {  	s6 =	sand.u32 $0x40, s0;
	s2 =	sor.u32 s5, s2;
	v4 =	vmax.f32 v6, $1.258291200e+07;
	v5 =	vadd.f32 $1.258700800e+07, v5;
	v6 =	vmin.f32 v9, $1.259110300e+07;
	[tilespmem:v3+s26+$0x0] =	vst.idx.add.f32.msk $0xffff, v1  }
0x7c: {  	s2 =	sor.u32 s6, s2;
	v3 =	vmax.f32 v7, $1.258291200e+07;
	v7 =	vshll.u32 v10, $0xD;
	v6 =	vand.u32 $0x1FFF, v6;
	[tilespmem:v2+s26+$0x0] =	vst.idx.add.f32.msk $0xffff, v1  }
0x7d: {  	v2 =	vmin.f32 v4, $1.259110300e+07;
	v9 =	vld [tilespmem:s2+$0x8030];
	v4 =	vmax.f32 v5, $1.258291200e+07;
	v10 =	vor.u32 v7, v6  }
.Ltmp2:
0x7e: {  	v2 =	vand.u32 $0x1FFF, v2;
	v3 =	vmin.f32 v3, $1.259110300e+07;
	v6 =	vld [tilespmem:s2+$0x8000];
	v4 =	vmin.f32 v4, $1.259110300e+07;
	(pc) =	sbr.rel @p0 .LBB2_6-.Ltmp2, $4  }
0x7f: {  	v11 =	vshll.u32 v11, $0xD;
	v3 =	vand.u32 $0x1FFF, v3;
	v7 =	vld [tilespmem:s2+$0x8010];
	v13 =	vand.u32 $0x1FFF, v4  }
0x80: {  	v4 =	vor.u32 v8, v2;
	v3 =	vor.u32 v11, v3;
	v2 =	vshll.u32 v12, $0xD;
	v5 =	vld [tilespmem:s2+$0x8020]  }
0x81: {  	v2 =	vor.u32 v2, v13;
	v8 =	vld [tilespmem:s2+$0xC000]  }
0x82: {  	v9 =	vmul.f32 $3.413333440e+02, v9;
	[tilespmem:v10+s26+$0x0] =	vst.idx.add.f32.msk $0xffff, v1  }
0x83: {  	v6 =	vmul.f32 $3.413333440e+02, v6;
	v10 =	vld [tilespmem:s2+$0xC030]  }
0x84: {  	v7 =	vmul.f32 $3.413333440e+02, v7;
	v9 =	vadd.f32 $1.258700800e+07, v9  }
0x85: {  	v11 =	vld [tilespmem:s2+$0xC010];
	v6 =	vadd.f32 $1.258700800e+07, v6;
	v5 =	vmul.f32 $3.413333440e+02, v5  }
0x86: {  	v8 =	vshll.u32 v8, $0xD;
	v7 =	vadd.f32 $1.258700800e+07, v7;
	v9 =	vmax.f32 v9, $1.258291200e+07  }
0x87: {  	v12 =	vld [tilespmem:s2+$0xC020];
	v6 =	vmax.f32 v6, $1.258291200e+07;
	v5 =	vadd.f32 $1.258700800e+07, v5;
	v9 =	vmin.f32 v9, $1.259110300e+07  }
0x88: {  	v7 =	vmax.f32 v7, $1.258291200e+07;
	v10 =	vshll.u32 v10, $0xD;
	v9 =	vand.u32 $0x1FFF, v9  }
0x89: {  	v6 =	vmin.f32 v6, $1.259110300e+07;
	v5 =	vmax.f32 v5, $1.258291200e+07;
	v9 =	vor.u32 v10, v9  }
0x8a: {  	v6 =	vand.u32 $0x1FFF, v6;
	v7 =	vmin.f32 v7, $1.259110300e+07;
	v10 =	vshll.u32 v11, $0xD  }
0x8b: {  	v5 =	vmin.f32 v5, $1.259110300e+07;
	v7 =	vand.u32 $0x1FFF, v7;
	v6 =	vor.u32 v8, v6  }
0x8c: {  	[tilespmem:v4+s26+$0x0] =	vst.idx.add.f32.msk $0xffff, v1;
	v4 =	vand.u32 $0x1FFF, v5;
	v5 =	vor.u32 v10, v7;
	v7 =	vshll.u32 v12, $0xD  }
0x8d: {  	[tilespmem:v3+s26+$0x0] =	vst.idx.add.f32.msk $0xffff, v1;
	v3 =	vor.u32 v7, v4  }
0x8e: {  	[tilespmem:v2+s26+$0x0] =	vst.idx.add.f32.msk $0xffff, v1  }
0x8f: {  	[tilespmem:v9+s26+$0x0] =	vst.idx.add.f32.msk $0xffff, v1  }
0x90: {  	[tilespmem:v6+s26+$0x0] =	vst.idx.add.f32.msk $0xffff, v1  }
0x91: {  	[tilespmem:v5+s26+$0x0] =	vst.idx.add.f32.msk $0xffff, v1  }
0x92: {  	[tilespmem:v3+s26+$0x0] =	vst.idx.add.f32.msk $0xffff, v1  }
0x93: {  	_ =	swait.ge [sflag:s3], $0x4000  }
0x94: {  	[sflag:s3] =	ssyncset.done $0x0  }
0x95: {  	[sflag:s3] =	ssyncadd.s32 $0xFFFFC000  }
0x96: {  	s0 =	simm.s32 $0x0;
	_ =	swait.ge [sflag:s23], $0x4000  }
0x97: {  	s1 =	simm.s32 $0x0;
	s4 =	simm.s32 $0x0;
	[sflag:s23] =	ssyncset.done $0x0  }
0x98: {  	s1 =	sand.u32 $0x3000, s1;
	s7 =	sand.u32 $0xC00, s0;
	[sflag:s23] =	ssyncadd.s32 $0xFFFFC000  }
0x99: {  	[tilespmem:s24], [sflag:$0x3] =	stream.linear.gather [hbm4b:s10+s0], $0x4000, $0x38;
	[tilespmem:$0x14000] =	vst v63  }
0x9a: {  	s5 =	sand.u32 $0x380, s4;
	s1 =	sor.u32 s7, s1  }
0x9b: {  	[tilespmem:s25], [sflag:$0x4] =	stream.linear.gather [hbm4b:s11+s0], $0x4000, $0x38;
	[tilespmem:$0x14000] =	vst v63  }
0x9c: {  	s1 =	sor.u32 s5, s1;
	s0 =	sand.u32 $0x40, s0  }
0x9d: {  	s2 =	sor.u32 s0, s1  }
0x9e: {  	v2 =	vld [tilespmem:s2+$0x30];
	_ =	sdelay $0x1  }
0x9f: {  	v3 =	vld [tilespmem:s2+$0x0]  }
0xa0: {  	v4 =	vld [tilespmem:s2+$0x10]  }
0xa1: {  	v5 =	vld [tilespmem:s2+$0x20]  }
0xa2: {  	v6 =	vld [tilespmem:s2+$0x4030];
	v2 =	vmul.f32 $3.413333440e+02, v2;
	_ =	sdelay $0x1  }
0xa3: {  	s6 =	simm.s32 $0x40;
	s1 =	simm.s32 $0x200;
	v8 =	vld [tilespmem:s2+$0x4010];
	v2 =	vadd.f32 $1.258700800e+07, v2  }
0xa4: {  	s5 =	simm.s32 $0x10;
	s0 =	sand.u32 $0x3000, s6;
	s7 =	sand.u32 $0xC00, s1;
	v3 =	vmul.f32 $3.413333440e+02, v3  }
0xa5: {  	s5 =	sand.u32 $0x380, s5;
	v7 =	vld [tilespmem:s2+$0x4000];
	s4 =	sor.u32 s7, s0;
	s0 =	simm.s32 $0x40;
	v4 =	vmul.f32 $3.413333440e+02, v4;
	v5 =	vmul.f32 $3.413333440e+02, v5;
	v2 =	vmax.f32 v2, $1.258291200e+07  }
0xa6: {  	s6 =	sand.u32 $0x40, s0;
	s4 =	sor.u32 s5, s4;
	v6 =	vshll.u32 v6, $0xD;
	v3 =	vadd.f32 $1.258700800e+07, v3;
	v2 =	vmin.f32 v2, $1.259110300e+07  }
0xa7: {  	v9 =	vld [tilespmem:s2+$0x4020];
	s2 =	sor.u32 s6, s4;
	v4 =	vadd.f32 $1.258700800e+07, v4;
	v5 =	vadd.f32 $1.258700800e+07, v5;
	v2 =	vand.u32 $0x1FFF, v2  }
0xa8: {  	v10 =	vld [tilespmem:s2+$0x30];
	v13 =	vshll.u32 v8, $0xD;
	v11 =	vor.u32 v6, v2  }
0xa9: {  	v3 =	vmax.f32 v3, $1.258291200e+07;
	v4 =	vmax.f32 v4, $1.258291200e+07;
	v5 =	vmax.f32 v5, $1.258291200e+07;
	v6 =	vld [tilespmem:s2+$0x0]  }
0xaa: {  	v3 =	vmin.f32 v3, $1.259110300e+07;
	v4 =	vmin.f32 v4, $1.259110300e+07;
	v2 =	vshll.u32 v7, $0xD;
	v7 =	vld [tilespmem:s2+$0x10]  }
0xab: {  	v63 =	vmin.f32 v5, $1.259110300e+07;
	v5 =	vld [tilespmem:s2+$0x20];
	v3 =	vand.u32 $0x1FFF, v3;
	v14 =	vand.u32 $0x1FFF, v4  }
0xac: {  	v8 =	vld [tilespmem:s2+$0x4000];
	v12 =	vand.u32 $0x1FFF, v63;
	v4 =	vor.u32 v2, v3;
	v2 =	vshll.u32 v9, $0xD  }
0xad: {  	s4 =	simm.s32 $0x4;
	v3 =	vor.u32 v13, v14;
	v9 =	vmul.f32 $3.413333440e+02, v10;
	v2 =	vor.u32 v2, v12;
	[tilespmem:v11+s26+$0x0] =	vst.idx.add.f32.msk $0xffff, v1  }
.LBB2_8:
0xae: {  	s4 =	sadd.s32 $0x4, s4;
	v6 =	vmul.f32 $3.413333440e+02, v6;
	v10 =	vld [tilespmem:s2+$0x4030]  }
0xaf: {  	s1 =	sadd.s32 $0x200, s1;
	s5 =	sshll.u32 s4, $0x4;
	p0 =	slt.u32 s4, $0x3FC;
	v11 =	vld [tilespmem:s2+$0x4010];
	v7 =	vmul.f32 $3.413333440e+02, v7;
	v9 =	vadd.f32 $1.258700800e+07, v9  }
0xb0: {  	s6 =	sand.u32 $0xC00, s1;
	s7 =	sshll.u32 s4, $0x2;
	s5 =	sand.u32 $0x3000, s5;
	v6 =	vadd.f32 $1.258700800e+07, v6;
	v12 =	vld [tilespmem:s2+$0x4020];
	v5 =	vmul.f32 $3.413333440e+02, v5  }
0xb1: {  	s0 =	sadd.s32 $0x40, s0;
	s2 =	sor.u32 s6, s5;
	s5 =	sand.u32 $0x380, s7;
	v8 =	vshll.u32 v8, $0xD;
	v7 =	vadd.f32 $1.258700800e+07, v7;
	v9 =	vmax.f32 v9, $1.258291200e+07;
	[tilespmem:v4+s26+$0x0] =	vst.idx.add.f32.msk $0xffff, v1  }
0xb2: {  	s6 =	sand.u32 $0x40, s0;
	s2 =	sor.u32 s5, s2;
	v4 =	vmax.f32 v6, $1.258291200e+07;
	v5 =	vadd.f32 $1.258700800e+07, v5;
	v6 =	vmin.f32 v9, $1.259110300e+07;
	[tilespmem:v3+s26+$0x0] =	vst.idx.add.f32.msk $0xffff, v1  }
0xb3: {  	s2 =	sor.u32 s6, s2;
	v3 =	vmax.f32 v7, $1.258291200e+07;
	v7 =	vshll.u32 v10, $0xD;
	v6 =	vand.u32 $0x1FFF, v6;
	[tilespmem:v2+s26+$0x0] =	vst.idx.add.f32.msk $0xffff, v1  }
0xb4: {  	v2 =	vmin.f32 v4, $1.259110300e+07;
	v9 =	vld [tilespmem:s2+$0x30];
	v4 =	vmax.f32 v5, $1.258291200e+07;
	v10 =	vor.u32 v7, v6  }
.Ltmp3:
0xb5: {  	v2 =	vand.u32 $0x1FFF, v2;
	v3 =	vmin.f32 v3, $1.259110300e+07;
	v6 =	vld [tilespmem:s2+$0x0];
	v4 =	vmin.f32 v4, $1.259110300e+07;
	(pc) =	sbr.rel @p0 .LBB2_8-.Ltmp3, $4  }
0xb6: {  	v11 =	vshll.u32 v11, $0xD;
	v3 =	vand.u32 $0x1FFF, v3;
	v7 =	vld [tilespmem:s2+$0x10];
	v13 =	vand.u32 $0x1FFF, v4  }
0xb7: {  	v4 =	vor.u32 v8, v2;
	v3 =	vor.u32 v11, v3;
	v2 =	vshll.u32 v12, $0xD;
	v5 =	vld [tilespmem:s2+$0x20]  }
0xb8: {  	v2 =	vor.u32 v2, v13;
	v8 =	vld [tilespmem:s2+$0x4000]  }
0xb9: {  	v9 =	vmul.f32 $3.413333440e+02, v9;
	[tilespmem:v10+s26+$0x0] =	vst.idx.add.f32.msk $0xffff, v1  }
0xba: {  	v6 =	vmul.f32 $3.413333440e+02, v6;
	v10 =	vld [tilespmem:s2+$0x4030]  }
0xbb: {  	v7 =	vmul.f32 $3.413333440e+02, v7;
	v9 =	vadd.f32 $1.258700800e+07, v9  }
0xbc: {  	v11 =	vld [tilespmem:s2+$0x4010];
	v6 =	vadd.f32 $1.258700800e+07, v6;
	v5 =	vmul.f32 $3.413333440e+02, v5  }
0xbd: {  	v8 =	vshll.u32 v8, $0xD;
	v7 =	vadd.f32 $1.258700800e+07, v7;
	v9 =	vmax.f32 v9, $1.258291200e+07  }
0xbe: {  	v12 =	vld [tilespmem:s2+$0x4020];
	v6 =	vmax.f32 v6, $1.258291200e+07;
	v5 =	vadd.f32 $1.258700800e+07, v5;
	v9 =	vmin.f32 v9, $1.259110300e+07  }
0xbf: {  	v7 =	vmax.f32 v7, $1.258291200e+07;
	v10 =	vshll.u32 v10, $0xD;
	v9 =	vand.u32 $0x1FFF, v9  }
0xc0: {  	v6 =	vmin.f32 v6, $1.259110300e+07;
	v5 =	vmax.f32 v5, $1.258291200e+07;
	v9 =	vor.u32 v10, v9  }
0xc1: {  	v6 =	vand.u32 $0x1FFF, v6;
	v7 =	vmin.f32 v7, $1.259110300e+07;
	v10 =	vshll.u32 v11, $0xD  }
0xc2: {  	v5 =	vmin.f32 v5, $1.259110300e+07;
	v7 =	vand.u32 $0x1FFF, v7;
	v6 =	vor.u32 v8, v6  }
0xc3: {  	[tilespmem:v4+s26+$0x0] =	vst.idx.add.f32.msk $0xffff, v1;
	v4 =	vand.u32 $0x1FFF, v5;
	v5 =	vor.u32 v10, v7;
	v7 =	vshll.u32 v12, $0xD  }
0xc4: {  	[tilespmem:v3+s26+$0x0] =	vst.idx.add.f32.msk $0xffff, v1;
	v3 =	vor.u32 v7, v4  }
0xc5: {  	[tilespmem:v2+s26+$0x0] =	vst.idx.add.f32.msk $0xffff, v1  }
0xc6: {  	[tilespmem:v9+s26+$0x0] =	vst.idx.add.f32.msk $0xffff, v1  }
0xc7: {  	[tilespmem:v6+s26+$0x0] =	vst.idx.add.f32.msk $0xffff, v1  }
0xc8: {  	[tilespmem:v5+s26+$0x0] =	vst.idx.add.f32.msk $0xffff, v1  }
0xc9: {  	[tilespmem:v3+s26+$0x0] =	vst.idx.add.f32.msk $0xffff, v1  }
0xca: {  	_ =	swait.ge [sflag:s28], $0x4000  }
0xcb: {  	[sflag:s28] =	ssyncset.done $0x0  }
0xcc: {  	[sflag:s28] =	ssyncadd.s32 $0xFFFFC000  }
0xcd: {  	s0 =	simm.s32 $0x0;
	_ =	swait.ge [sflag:s29], $0x4000  }
0xce: {  	s1 =	simm.s32 $0x0;
	s4 =	simm.s32 $0x0;
	[sflag:s29] =	ssyncset.done $0x0  }
0xcf: {  	s1 =	sand.u32 $0x3000, s1;
	s7 =	sand.u32 $0xC00, s0;
	[sflag:s29] =	ssyncadd.s32 $0xFFFFC000  }
0xd0: {  	[tilespmem:s0], [sflag:$0x1] =	stream.linear.gather [hbm4b:s12+s0], $0x4000, $0x38;
	[tilespmem:$0x14000] =	vst v63  }
0xd1: {  	s5 =	sand.u32 $0x380, s4;
	s1 =	sor.u32 s7, s1  }
0xd2: {  	[tilespmem:s22], [sflag:$0x2] =	stream.linear.gather [hbm4b:s13+s0], $0x4000, $0x38;
	[tilespmem:$0x14000] =	vst v63  }
0xd3: {  	s1 =	sor.u32 s5, s1;
	s0 =	sand.u32 $0x40, s0  }
0xd4: {  	s2 =	sor.u32 s0, s1  }
0xd5: {  	v2 =	vld [tilespmem:s2+$0x8030];
	_ =	sdelay $0x1  }
0xd6: {  	v3 =	vld [tilespmem:s2+$0x8000]  }
0xd7: {  	v4 =	vld [tilespmem:s2+$0x8010]  }
0xd8: {  	v5 =	vld [tilespmem:s2+$0x8020]  }
0xd9: {  	v6 =	vld [tilespmem:s2+$0xC030];
	v2 =	vmul.f32 $3.413333440e+02, v2;
	_ =	sdelay $0x1  }
0xda: {  	s6 =	simm.s32 $0x40;
	s1 =	simm.s32 $0x200;
	v8 =	vld [tilespmem:s2+$0xC010];
	v2 =	vadd.f32 $1.258700800e+07, v2  }
0xdb: {  	s5 =	simm.s32 $0x10;
	s0 =	sand.u32 $0x3000, s6;
	s7 =	sand.u32 $0xC00, s1;
	v3 =	vmul.f32 $3.413333440e+02, v3  }
0xdc: {  	s5 =	sand.u32 $0x380, s5;
	v7 =	vld [tilespmem:s2+$0xC000];
	s4 =	sor.u32 s7, s0;
	s0 =	simm.s32 $0x40;
	v4 =	vmul.f32 $3.413333440e+02, v4;
	v5 =	vmul.f32 $3.413333440e+02, v5;
	v2 =	vmax.f32 v2, $1.258291200e+07  }
0xdd: {  	s6 =	sand.u32 $0x40, s0;
	s4 =	sor.u32 s5, s4;
	v6 =	vshll.u32 v6, $0xD;
	v3 =	vadd.f32 $1.258700800e+07, v3;
	v2 =	vmin.f32 v2, $1.259110300e+07  }
0xde: {  	v9 =	vld [tilespmem:s2+$0xC020];
	s2 =	sor.u32 s6, s4;
	v4 =	vadd.f32 $1.258700800e+07, v4;
	v5 =	vadd.f32 $1.258700800e+07, v5;
	v2 =	vand.u32 $0x1FFF, v2  }
0xdf: {  	v10 =	vld [tilespmem:s2+$0x8030];
	v13 =	vshll.u32 v8, $0xD;
	v11 =	vor.u32 v6, v2  }
0xe0: {  	v3 =	vmax.f32 v3, $1.258291200e+07;
	v4 =	vmax.f32 v4, $1.258291200e+07;
	v5 =	vmax.f32 v5, $1.258291200e+07;
	v6 =	vld [tilespmem:s2+$0x8000]  }
0xe1: {  	v3 =	vmin.f32 v3, $1.259110300e+07;
	v4 =	vmin.f32 v4, $1.259110300e+07;
	v2 =	vshll.u32 v7, $0xD;
	v7 =	vld [tilespmem:s2+$0x8010]  }
0xe2: {  	v63 =	vmin.f32 v5, $1.259110300e+07;
	v5 =	vld [tilespmem:s2+$0x8020];
	v3 =	vand.u32 $0x1FFF, v3;
	v14 =	vand.u32 $0x1FFF, v4  }
0xe3: {  	v8 =	vld [tilespmem:s2+$0xC000];
	v12 =	vand.u32 $0x1FFF, v63;
	v4 =	vor.u32 v2, v3;
	v2 =	vshll.u32 v9, $0xD  }
0xe4: {  	s4 =	simm.s32 $0x4;
	v3 =	vor.u32 v13, v14;
	v9 =	vmul.f32 $3.413333440e+02, v10;
	v2 =	vor.u32 v2, v12;
	[tilespmem:v11+s26+$0x0] =	vst.idx.add.f32.msk $0xffff, v1  }
.LBB2_10:
0xe5: {  	s4 =	sadd.s32 $0x4, s4;
	v6 =	vmul.f32 $3.413333440e+02, v6;
	v10 =	vld [tilespmem:s2+$0xC030]  }
0xe6: {  	s1 =	sadd.s32 $0x200, s1;
	s5 =	sshll.u32 s4, $0x4;
	p0 =	slt.u32 s4, $0x3FC;
	v11 =	vld [tilespmem:s2+$0xC010];
	v7 =	vmul.f32 $3.413333440e+02, v7;
	v9 =	vadd.f32 $1.258700800e+07, v9  }
0xe7: {  	s6 =	sand.u32 $0xC00, s1;
	s7 =	sshll.u32 s4, $0x2;
	s5 =	sand.u32 $0x3000, s5;
	v6 =	vadd.f32 $1.258700800e+07, v6;
	v12 =	vld [tilespmem:s2+$0xC020];
	v5 =	vmul.f32 $3.413333440e+02, v5  }
0xe8: {  	s0 =	sadd.s32 $0x40, s0;
	s2 =	sor.u32 s6, s5;
	s5 =	sand.u32 $0x380, s7;
	v8 =	vshll.u32 v8, $0xD;
	v7 =	vadd.f32 $1.258700800e+07, v7;
	v9 =	vmax.f32 v9, $1.258291200e+07;
	[tilespmem:v4+s26+$0x0] =	vst.idx.add.f32.msk $0xffff, v1  }
0xe9: {  	s6 =	sand.u32 $0x40, s0;
	s2 =	sor.u32 s5, s2;
	v4 =	vmax.f32 v6, $1.258291200e+07;
	v5 =	vadd.f32 $1.258700800e+07, v5;
	v6 =	vmin.f32 v9, $1.259110300e+07;
	[tilespmem:v3+s26+$0x0] =	vst.idx.add.f32.msk $0xffff, v1  }
0xea: {  	s2 =	sor.u32 s6, s2;
	v3 =	vmax.f32 v7, $1.258291200e+07;
	v7 =	vshll.u32 v10, $0xD;
	v6 =	vand.u32 $0x1FFF, v6;
	[tilespmem:v2+s26+$0x0] =	vst.idx.add.f32.msk $0xffff, v1  }
0xeb: {  	v2 =	vmin.f32 v4, $1.259110300e+07;
	v9 =	vld [tilespmem:s2+$0x8030];
	v4 =	vmax.f32 v5, $1.258291200e+07;
	v10 =	vor.u32 v7, v6  }
.Ltmp4:
0xec: {  	v2 =	vand.u32 $0x1FFF, v2;
	v3 =	vmin.f32 v3, $1.259110300e+07;
	v6 =	vld [tilespmem:s2+$0x8000];
	v4 =	vmin.f32 v4, $1.259110300e+07;
	(pc) =	sbr.rel @p0 .LBB2_10-.Ltmp4, $4  }
0xed: {  	v11 =	vshll.u32 v11, $0xD;
	v3 =	vand.u32 $0x1FFF, v3;
	v7 =	vld [tilespmem:s2+$0x8010];
	v13 =	vand.u32 $0x1FFF, v4  }
0xee: {  	v4 =	vor.u32 v8, v2;
	v3 =	vor.u32 v11, v3;
	v2 =	vshll.u32 v12, $0xD;
	v5 =	vld [tilespmem:s2+$0x8020]  }
0xef: {  	v2 =	vor.u32 v2, v13;
	v8 =	vld [tilespmem:s2+$0xC000]  }
0xf0: {  	v9 =	vmul.f32 $3.413333440e+02, v9;
	[tilespmem:v10+s26+$0x0] =	vst.idx.add.f32.msk $0xffff, v1  }
0xf1: {  	v6 =	vmul.f32 $3.413333440e+02, v6;
	v10 =	vld [tilespmem:s2+$0xC030]  }
0xf2: {  	v7 =	vmul.f32 $3.413333440e+02, v7;
	v9 =	vadd.f32 $1.258700800e+07, v9  }
0xf3: {  	v11 =	vld [tilespmem:s2+$0xC010];
	v6 =	vadd.f32 $1.258700800e+07, v6;
	v5 =	vmul.f32 $3.413333440e+02, v5  }
0xf4: {  	v8 =	vshll.u32 v8, $0xD;
	v7 =	vadd.f32 $1.258700800e+07, v7;
	v9 =	vmax.f32 v9, $1.258291200e+07  }
0xf5: {  	v12 =	vld [tilespmem:s2+$0xC020];
	v6 =	vmax.f32 v6, $1.258291200e+07;
	v5 =	vadd.f32 $1.258700800e+07, v5;
	v9 =	vmin.f32 v9, $1.259110300e+07  }
0xf6: {  	v7 =	vmax.f32 v7, $1.258291200e+07;
	v10 =	vshll.u32 v10, $0xD;
	v9 =	vand.u32 $0x1FFF, v9  }
0xf7: {  	v6 =	vmin.f32 v6, $1.259110300e+07;
	v5 =	vmax.f32 v5, $1.258291200e+07;
	v9 =	vor.u32 v10, v9  }
0xf8: {  	v6 =	vand.u32 $0x1FFF, v6;
	v7 =	vmin.f32 v7, $1.259110300e+07;
	v10 =	vshll.u32 v11, $0xD  }
0xf9: {  	v5 =	vmin.f32 v5, $1.259110300e+07;
	v7 =	vand.u32 $0x1FFF, v7;
	v6 =	vor.u32 v8, v6  }
0xfa: {  	[tilespmem:v4+s26+$0x0] =	vst.idx.add.f32.msk $0xffff, v1;
	v4 =	vand.u32 $0x1FFF, v5;
	v5 =	vor.u32 v10, v7;
	v7 =	vshll.u32 v12, $0xD  }
0xfb: {  	[tilespmem:v3+s26+$0x0] =	vst.idx.add.f32.msk $0xffff, v1;
	v3 =	vor.u32 v7, v4  }
0xfc: {  	[tilespmem:v2+s26+$0x0] =	vst.idx.add.f32.msk $0xffff, v1  }
0xfd: {  	[tilespmem:v9+s26+$0x0] =	vst.idx.add.f32.msk $0xffff, v1  }
0xfe: {  	[tilespmem:v6+s26+$0x0] =	vst.idx.add.f32.msk $0xffff, v1  }
0xff: {  	[tilespmem:v5+s26+$0x0] =	vst.idx.add.f32.msk $0xffff, v1  }
0x100: {  	[tilespmem:v3+s26+$0x0] =	vst.idx.add.f32.msk $0xffff, v1  }
0x101: {  	_ =	swait.ge [sflag:s3], $0x4000  }
0x102: {  	[sflag:s3] =	ssyncset.done $0x0  }
0x103: {  	[sflag:s3] =	ssyncadd.s32 $0xFFFFC000  }
0x104: {  	s0 =	simm.s32 $0x0;
	_ =	swait.ge [sflag:s23], $0x4000  }
0x105: {  	s1 =	simm.s32 $0x0;
	s4 =	simm.s32 $0x0;
	[sflag:s23] =	ssyncset.done $0x0  }
0x106: {  	s1 =	sand.u32 $0x3000, s1;
	s7 =	sand.u32 $0xC00, s0;
	[sflag:s23] =	ssyncadd.s32 $0xFFFFC000  }
0x107: {  	[tilespmem:s24], [sflag:$0x3] =	stream.linear.gather [hbm4b:s14+s0], $0x4000, $0x38;
	[tilespmem:$0x14000] =	vst v63  }
0x108: {  	s5 =	sand.u32 $0x380, s4;
	s1 =	sor.u32 s7, s1  }
0x109: {  	[tilespmem:s25], [sflag:$0x4] =	stream.linear.gather [hbm4b:s15+s0], $0x4000, $0x38;
	[tilespmem:$0x14000] =	vst v63  }
0x10a: {  	s1 =	sor.u32 s5, s1;
	s0 =	sand.u32 $0x40, s0  }
0x10b: {  	s2 =	sor.u32 s0, s1  }
0x10c: {  	v2 =	vld [tilespmem:s2+$0x30];
	_ =	sdelay $0x1  }
0x10d: {  	v3 =	vld [tilespmem:s2+$0x0]  }
0x10e: {  	v4 =	vld [tilespmem:s2+$0x10]  }
0x10f: {  	v5 =	vld [tilespmem:s2+$0x20]  }
0x110: {  	v6 =	vld [tilespmem:s2+$0x4030];
	v2 =	vmul.f32 $3.413333440e+02, v2;
	_ =	sdelay $0x1  }
0x111: {  	s6 =	simm.s32 $0x40;
	s1 =	simm.s32 $0x200;
	v8 =	vld [tilespmem:s2+$0x4010];
	v2 =	vadd.f32 $1.258700800e+07, v2  }
0x112: {  	s5 =	simm.s32 $0x10;
	s0 =	sand.u32 $0x3000, s6;
	s7 =	sand.u32 $0xC00, s1;
	v3 =	vmul.f32 $3.413333440e+02, v3  }
0x113: {  	s5 =	sand.u32 $0x380, s5;
	v7 =	vld [tilespmem:s2+$0x4000];
	s4 =	sor.u32 s7, s0;
	s0 =	simm.s32 $0x40;
	v4 =	vmul.f32 $3.413333440e+02, v4;
	v5 =	vmul.f32 $3.413333440e+02, v5;
	v2 =	vmax.f32 v2, $1.258291200e+07  }
0x114: {  	s6 =	sand.u32 $0x40, s0;
	s4 =	sor.u32 s5, s4;
	v6 =	vshll.u32 v6, $0xD;
	v3 =	vadd.f32 $1.258700800e+07, v3;
	v2 =	vmin.f32 v2, $1.259110300e+07  }
0x115: {  	v9 =	vld [tilespmem:s2+$0x4020];
	s2 =	sor.u32 s6, s4;
	v4 =	vadd.f32 $1.258700800e+07, v4;
	v5 =	vadd.f32 $1.258700800e+07, v5;
	v2 =	vand.u32 $0x1FFF, v2  }
0x116: {  	v10 =	vld [tilespmem:s2+$0x30];
	v13 =	vshll.u32 v8, $0xD;
	v11 =	vor.u32 v6, v2  }
0x117: {  	v3 =	vmax.f32 v3, $1.258291200e+07;
	v4 =	vmax.f32 v4, $1.258291200e+07;
	v5 =	vmax.f32 v5, $1.258291200e+07;
	v6 =	vld [tilespmem:s2+$0x0]  }
0x118: {  	v3 =	vmin.f32 v3, $1.259110300e+07;
	v4 =	vmin.f32 v4, $1.259110300e+07;
	v2 =	vshll.u32 v7, $0xD;
	v7 =	vld [tilespmem:s2+$0x10]  }
0x119: {  	v63 =	vmin.f32 v5, $1.259110300e+07;
	v5 =	vld [tilespmem:s2+$0x20];
	v3 =	vand.u32 $0x1FFF, v3;
	v14 =	vand.u32 $0x1FFF, v4  }
0x11a: {  	v8 =	vld [tilespmem:s2+$0x4000];
	v12 =	vand.u32 $0x1FFF, v63;
	v4 =	vor.u32 v2, v3;
	v2 =	vshll.u32 v9, $0xD  }
0x11b: {  	s4 =	simm.s32 $0x4;
	v3 =	vor.u32 v13, v14;
	v9 =	vmul.f32 $3.413333440e+02, v10;
	v2 =	vor.u32 v2, v12;
	[tilespmem:v11+s26+$0x0] =	vst.idx.add.f32.msk $0xffff, v1  }
.LBB2_12:
0x11c: {  	s4 =	sadd.s32 $0x4, s4;
	v6 =	vmul.f32 $3.413333440e+02, v6;
	v10 =	vld [tilespmem:s2+$0x4030]  }
0x11d: {  	s1 =	sadd.s32 $0x200, s1;
	s5 =	sshll.u32 s4, $0x4;
	p0 =	slt.u32 s4, $0x3FC;
	v11 =	vld [tilespmem:s2+$0x4010];
	v7 =	vmul.f32 $3.413333440e+02, v7;
	v9 =	vadd.f32 $1.258700800e+07, v9  }
0x11e: {  	s6 =	sand.u32 $0xC00, s1;
	s7 =	sshll.u32 s4, $0x2;
	s5 =	sand.u32 $0x3000, s5;
	v6 =	vadd.f32 $1.258700800e+07, v6;
	v12 =	vld [tilespmem:s2+$0x4020];
	v5 =	vmul.f32 $3.413333440e+02, v5  }
0x11f: {  	s0 =	sadd.s32 $0x40, s0;
	s2 =	sor.u32 s6, s5;
	s5 =	sand.u32 $0x380, s7;
	v8 =	vshll.u32 v8, $0xD;
	v7 =	vadd.f32 $1.258700800e+07, v7;
	v9 =	vmax.f32 v9, $1.258291200e+07;
	[tilespmem:v4+s26+$0x0] =	vst.idx.add.f32.msk $0xffff, v1  }
0x120: {  	s6 =	sand.u32 $0x40, s0;
	s2 =	sor.u32 s5, s2;
	v4 =	vmax.f32 v6, $1.258291200e+07;
	v5 =	vadd.f32 $1.258700800e+07, v5;
	v6 =	vmin.f32 v9, $1.259110300e+07;
	[tilespmem:v3+s26+$0x0] =	vst.idx.add.f32.msk $0xffff, v1  }
0x121: {  	s2 =	sor.u32 s6, s2;
	v3 =	vmax.f32 v7, $1.258291200e+07;
	v7 =	vshll.u32 v10, $0xD;
	v6 =	vand.u32 $0x1FFF, v6;
	[tilespmem:v2+s26+$0x0] =	vst.idx.add.f32.msk $0xffff, v1  }
0x122: {  	v2 =	vmin.f32 v4, $1.259110300e+07;
	v9 =	vld [tilespmem:s2+$0x30];
	v4 =	vmax.f32 v5, $1.258291200e+07;
	v10 =	vor.u32 v7, v6  }
.Ltmp5:
0x123: {  	v2 =	vand.u32 $0x1FFF, v2;
	v3 =	vmin.f32 v3, $1.259110300e+07;
	v6 =	vld [tilespmem:s2+$0x0];
	v4 =	vmin.f32 v4, $1.259110300e+07;
	(pc) =	sbr.rel @p0 .LBB2_12-.Ltmp5, $4  }
0x124: {  	v11 =	vshll.u32 v11, $0xD;
	v3 =	vand.u32 $0x1FFF, v3;
	v7 =	vld [tilespmem:s2+$0x10];
	v13 =	vand.u32 $0x1FFF, v4  }
0x125: {  	v4 =	vor.u32 v8, v2;
	v3 =	vor.u32 v11, v3;
	v2 =	vshll.u32 v12, $0xD;
	v5 =	vld [tilespmem:s2+$0x20]  }
0x126: {  	v2 =	vor.u32 v2, v13;
	v8 =	vld [tilespmem:s2+$0x4000]  }
0x127: {  	v9 =	vmul.f32 $3.413333440e+02, v9;
	[tilespmem:v10+s26+$0x0] =	vst.idx.add.f32.msk $0xffff, v1  }
0x128: {  	v6 =	vmul.f32 $3.413333440e+02, v6;
	v10 =	vld [tilespmem:s2+$0x4030]  }
0x129: {  	v7 =	vmul.f32 $3.413333440e+02, v7;
	v9 =	vadd.f32 $1.258700800e+07, v9  }
0x12a: {  	v11 =	vld [tilespmem:s2+$0x4010];
	v6 =	vadd.f32 $1.258700800e+07, v6;
	v5 =	vmul.f32 $3.413333440e+02, v5  }
0x12b: {  	v8 =	vshll.u32 v8, $0xD;
	v7 =	vadd.f32 $1.258700800e+07, v7;
	v9 =	vmax.f32 v9, $1.258291200e+07  }
0x12c: {  	v12 =	vld [tilespmem:s2+$0x4020];
	v6 =	vmax.f32 v6, $1.258291200e+07;
	v5 =	vadd.f32 $1.258700800e+07, v5;
	v9 =	vmin.f32 v9, $1.259110300e+07  }
0x12d: {  	v7 =	vmax.f32 v7, $1.258291200e+07;
	v10 =	vshll.u32 v10, $0xD;
	v9 =	vand.u32 $0x1FFF, v9  }
0x12e: {  	v6 =	vmin.f32 v6, $1.259110300e+07;
	v5 =	vmax.f32 v5, $1.258291200e+07;
	v9 =	vor.u32 v10, v9  }
0x12f: {  	v6 =	vand.u32 $0x1FFF, v6;
	v7 =	vmin.f32 v7, $1.259110300e+07;
	v10 =	vshll.u32 v11, $0xD  }
0x130: {  	v5 =	vmin.f32 v5, $1.259110300e+07;
	v7 =	vand.u32 $0x1FFF, v7;
	v6 =	vor.u32 v8, v6  }
0x131: {  	[tilespmem:v4+s26+$0x0] =	vst.idx.add.f32.msk $0xffff, v1;
	v4 =	vand.u32 $0x1FFF, v5;
	v5 =	vor.u32 v10, v7;
	v7 =	vshll.u32 v12, $0xD  }
0x132: {  	[tilespmem:v3+s26+$0x0] =	vst.idx.add.f32.msk $0xffff, v1;
	v3 =	vor.u32 v7, v4  }
0x133: {  	[tilespmem:v2+s26+$0x0] =	vst.idx.add.f32.msk $0xffff, v1  }
0x134: {  	[tilespmem:v9+s26+$0x0] =	vst.idx.add.f32.msk $0xffff, v1  }
0x135: {  	[tilespmem:v6+s26+$0x0] =	vst.idx.add.f32.msk $0xffff, v1  }
0x136: {  	[tilespmem:v5+s26+$0x0] =	vst.idx.add.f32.msk $0xffff, v1  }
0x137: {  	[tilespmem:v3+s26+$0x0] =	vst.idx.add.f32.msk $0xffff, v1  }
0x138: {  	_ =	swait.ge [sflag:s28], $0x4000  }
0x139: {  	[sflag:s28] =	ssyncset.done $0x0  }
0x13a: {  	[sflag:s28] =	ssyncadd.s32 $0xFFFFC000  }
0x13b: {  	s0 =	simm.s32 $0x0;
	_ =	swait.ge [sflag:s29], $0x4000  }
0x13c: {  	s1 =	simm.s32 $0x0;
	s4 =	simm.s32 $0x0;
	[sflag:s29] =	ssyncset.done $0x0  }
0x13d: {  	s1 =	sand.u32 $0x3000, s1;
	s7 =	sand.u32 $0xC00, s0;
	[sflag:s29] =	ssyncadd.s32 $0xFFFFC000  }
0x13e: {  	[tilespmem:s0], [sflag:$0x1] =	stream.linear.gather [hbm4b:s16+s0], $0x4000, $0x38;
	[tilespmem:$0x14000] =	vst v63  }
0x13f: {  	s5 =	sand.u32 $0x380, s4;
	s1 =	sor.u32 s7, s1  }
0x140: {  	[tilespmem:s22], [sflag:$0x2] =	stream.linear.gather [hbm4b:s17+s0], $0x4000, $0x38;
	[tilespmem:$0x14000] =	vst v63  }
0x141: {  	s1 =	sor.u32 s5, s1;
	s0 =	sand.u32 $0x40, s0  }
0x142: {  	s2 =	sor.u32 s0, s1  }
0x143: {  	v2 =	vld [tilespmem:s2+$0x8030];
	_ =	sdelay $0x1  }
0x144: {  	v3 =	vld [tilespmem:s2+$0x8000]  }
0x145: {  	v4 =	vld [tilespmem:s2+$0x8010]  }
0x146: {  	v5 =	vld [tilespmem:s2+$0x8020]  }
0x147: {  	v6 =	vld [tilespmem:s2+$0xC030];
	v2 =	vmul.f32 $3.413333440e+02, v2;
	_ =	sdelay $0x1  }
0x148: {  	s6 =	simm.s32 $0x40;
	s1 =	simm.s32 $0x200;
	v8 =	vld [tilespmem:s2+$0xC010];
	v2 =	vadd.f32 $1.258700800e+07, v2  }
0x149: {  	s5 =	simm.s32 $0x10;
	s0 =	sand.u32 $0x3000, s6;
	s7 =	sand.u32 $0xC00, s1;
	v3 =	vmul.f32 $3.413333440e+02, v3  }
0x14a: {  	s5 =	sand.u32 $0x380, s5;
	v7 =	vld [tilespmem:s2+$0xC000];
	s4 =	sor.u32 s7, s0;
	s0 =	simm.s32 $0x40;
	v4 =	vmul.f32 $3.413333440e+02, v4;
	v5 =	vmul.f32 $3.413333440e+02, v5;
	v2 =	vmax.f32 v2, $1.258291200e+07  }
0x14b: {  	s6 =	sand.u32 $0x40, s0;
	s4 =	sor.u32 s5, s4;
	v6 =	vshll.u32 v6, $0xD;
	v3 =	vadd.f32 $1.258700800e+07, v3;
	v2 =	vmin.f32 v2, $1.259110300e+07  }
0x14c: {  	v9 =	vld [tilespmem:s2+$0xC020];
	s2 =	sor.u32 s6, s4;
	v4 =	vadd.f32 $1.258700800e+07, v4;
	v5 =	vadd.f32 $1.258700800e+07, v5;
	v2 =	vand.u32 $0x1FFF, v2  }
0x14d: {  	v10 =	vld [tilespmem:s2+$0x8030];
	v13 =	vshll.u32 v8, $0xD;
	v11 =	vor.u32 v6, v2  }
0x14e: {  	v3 =	vmax.f32 v3, $1.258291200e+07;
	v4 =	vmax.f32 v4, $1.258291200e+07;
	v5 =	vmax.f32 v5, $1.258291200e+07;
	v6 =	vld [tilespmem:s2+$0x8000]  }
0x14f: {  	v3 =	vmin.f32 v3, $1.259110300e+07;
	v4 =	vmin.f32 v4, $1.259110300e+07;
	v2 =	vshll.u32 v7, $0xD;
	v7 =	vld [tilespmem:s2+$0x8010]  }
0x150: {  	v63 =	vmin.f32 v5, $1.259110300e+07;
	v5 =	vld [tilespmem:s2+$0x8020];
	v3 =	vand.u32 $0x1FFF, v3;
	v14 =	vand.u32 $0x1FFF, v4  }
0x151: {  	v8 =	vld [tilespmem:s2+$0xC000];
	v12 =	vand.u32 $0x1FFF, v63;
	v4 =	vor.u32 v2, v3;
	v2 =	vshll.u32 v9, $0xD  }
0x152: {  	s4 =	simm.s32 $0x4;
	v3 =	vor.u32 v13, v14;
	v9 =	vmul.f32 $3.413333440e+02, v10;
	v2 =	vor.u32 v2, v12;
	[tilespmem:v11+s26+$0x0] =	vst.idx.add.f32.msk $0xffff, v1  }
.LBB2_14:
0x153: {  	s4 =	sadd.s32 $0x4, s4;
	v6 =	vmul.f32 $3.413333440e+02, v6;
	v10 =	vld [tilespmem:s2+$0xC030]  }
0x154: {  	s1 =	sadd.s32 $0x200, s1;
	s5 =	sshll.u32 s4, $0x4;
	p0 =	slt.u32 s4, $0x3FC;
	v11 =	vld [tilespmem:s2+$0xC010];
	v7 =	vmul.f32 $3.413333440e+02, v7;
	v9 =	vadd.f32 $1.258700800e+07, v9  }
0x155: {  	s6 =	sand.u32 $0xC00, s1;
	s7 =	sshll.u32 s4, $0x2;
	s5 =	sand.u32 $0x3000, s5;
	v6 =	vadd.f32 $1.258700800e+07, v6;
	v12 =	vld [tilespmem:s2+$0xC020];
	v5 =	vmul.f32 $3.413333440e+02, v5  }
0x156: {  	s0 =	sadd.s32 $0x40, s0;
	s2 =	sor.u32 s6, s5;
	s5 =	sand.u32 $0x380, s7;
	v8 =	vshll.u32 v8, $0xD;
	v7 =	vadd.f32 $1.258700800e+07, v7;
	v9 =	vmax.f32 v9, $1.258291200e+07;
	[tilespmem:v4+s26+$0x0] =	vst.idx.add.f32.msk $0xffff, v1  }
0x157: {  	s6 =	sand.u32 $0x40, s0;
	s2 =	sor.u32 s5, s2;
	v4 =	vmax.f32 v6, $1.258291200e+07;
	v5 =	vadd.f32 $1.258700800e+07, v5;
	v6 =	vmin.f32 v9, $1.259110300e+07;
	[tilespmem:v3+s26+$0x0] =	vst.idx.add.f32.msk $0xffff, v1  }
0x158: {  	s2 =	sor.u32 s6, s2;
	v3 =	vmax.f32 v7, $1.258291200e+07;
	v7 =	vshll.u32 v10, $0xD;
	v6 =	vand.u32 $0x1FFF, v6;
	[tilespmem:v2+s26+$0x0] =	vst.idx.add.f32.msk $0xffff, v1  }
0x159: {  	v2 =	vmin.f32 v4, $1.259110300e+07;
	v9 =	vld [tilespmem:s2+$0x8030];
	v4 =	vmax.f32 v5, $1.258291200e+07;
	v10 =	vor.u32 v7, v6  }
.Ltmp6:
0x15a: {  	v2 =	vand.u32 $0x1FFF, v2;
	v3 =	vmin.f32 v3, $1.259110300e+07;
	v6 =	vld [tilespmem:s2+$0x8000];
	v4 =	vmin.f32 v4, $1.259110300e+07;
	(pc) =	sbr.rel @p0 .LBB2_14-.Ltmp6, $4  }
0x15b: {  	v11 =	vshll.u32 v11, $0xD;
	v3 =	vand.u32 $0x1FFF, v3;
	v7 =	vld [tilespmem:s2+$0x8010];
	v13 =	vand.u32 $0x1FFF, v4  }
0x15c: {  	v4 =	vor.u32 v8, v2;
	v3 =	vor.u32 v11, v3;
	v2 =	vshll.u32 v12, $0xD;
	v5 =	vld [tilespmem:s2+$0x8020]  }
0x15d: {  	v2 =	vor.u32 v2, v13;
	v8 =	vld [tilespmem:s2+$0xC000]  }
0x15e: {  	v9 =	vmul.f32 $3.413333440e+02, v9;
	[tilespmem:v10+s26+$0x0] =	vst.idx.add.f32.msk $0xffff, v1  }
0x15f: {  	v6 =	vmul.f32 $3.413333440e+02, v6;
	v10 =	vld [tilespmem:s2+$0xC030]  }
0x160: {  	v7 =	vmul.f32 $3.413333440e+02, v7;
	v9 =	vadd.f32 $1.258700800e+07, v9  }
0x161: {  	v11 =	vld [tilespmem:s2+$0xC010];
	v6 =	vadd.f32 $1.258700800e+07, v6;
	v5 =	vmul.f32 $3.413333440e+02, v5  }
0x162: {  	v8 =	vshll.u32 v8, $0xD;
	v7 =	vadd.f32 $1.258700800e+07, v7;
	v9 =	vmax.f32 v9, $1.258291200e+07  }
0x163: {  	v12 =	vld [tilespmem:s2+$0xC020];
	v6 =	vmax.f32 v6, $1.258291200e+07;
	v5 =	vadd.f32 $1.258700800e+07, v5;
	v9 =	vmin.f32 v9, $1.259110300e+07  }
0x164: {  	v7 =	vmax.f32 v7, $1.258291200e+07;
	v10 =	vshll.u32 v10, $0xD;
	v9 =	vand.u32 $0x1FFF, v9  }
0x165: {  	v6 =	vmin.f32 v6, $1.259110300e+07;
	v5 =	vmax.f32 v5, $1.258291200e+07;
	v9 =	vor.u32 v10, v9  }
0x166: {  	v6 =	vand.u32 $0x1FFF, v6;
	v7 =	vmin.f32 v7, $1.259110300e+07;
	v10 =	vshll.u32 v11, $0xD  }
0x167: {  	v5 =	vmin.f32 v5, $1.259110300e+07;
	v7 =	vand.u32 $0x1FFF, v7;
	v6 =	vor.u32 v8, v6  }
0x168: {  	[tilespmem:v4+s26+$0x0] =	vst.idx.add.f32.msk $0xffff, v1;
	v4 =	vand.u32 $0x1FFF, v5;
	v5 =	vor.u32 v10, v7;
	v7 =	vshll.u32 v12, $0xD  }
0x169: {  	[tilespmem:v3+s26+$0x0] =	vst.idx.add.f32.msk $0xffff, v1;
	v3 =	vor.u32 v7, v4  }
0x16a: {  	[tilespmem:v2+s26+$0x0] =	vst.idx.add.f32.msk $0xffff, v1  }
0x16b: {  	[tilespmem:v9+s26+$0x0] =	vst.idx.add.f32.msk $0xffff, v1  }
0x16c: {  	[tilespmem:v6+s26+$0x0] =	vst.idx.add.f32.msk $0xffff, v1  }
0x16d: {  	[tilespmem:v5+s26+$0x0] =	vst.idx.add.f32.msk $0xffff, v1  }
0x16e: {  	[tilespmem:v3+s26+$0x0] =	vst.idx.add.f32.msk $0xffff, v1  }
0x16f: {  	_ =	swait.ge [sflag:s3], $0x4000  }
0x170: {  	[sflag:s3] =	ssyncset.done $0x0  }
0x171: {  	[sflag:s3] =	ssyncadd.s32 $0xFFFFC000  }
0x172: {  	s0 =	simm.s32 $0x0;
	_ =	swait.ge [sflag:s23], $0x4000  }
0x173: {  	s1 =	simm.s32 $0x0;
	s4 =	simm.s32 $0x0;
	[sflag:s23] =	ssyncset.done $0x0  }
0x174: {  	s1 =	sand.u32 $0x3000, s1;
	s7 =	sand.u32 $0xC00, s0;
	[sflag:s23] =	ssyncadd.s32 $0xFFFFC000  }
0x175: {  	[tilespmem:s24], [sflag:$0x3] =	stream.linear.gather [hbm4b:s18+s0], $0x4000, $0x38;
	[tilespmem:$0x14000] =	vst v63  }
0x176: {  	s5 =	sand.u32 $0x380, s4;
	s1 =	sor.u32 s7, s1  }
0x177: {  	[tilespmem:s25], [sflag:$0x4] =	stream.linear.gather [hbm4b:s19+s0], $0x4000, $0x38;
	[tilespmem:$0x14000] =	vst v63  }
0x178: {  	s1 =	sor.u32 s5, s1;
	s0 =	sand.u32 $0x40, s0  }
0x179: {  	s2 =	sor.u32 s0, s1  }
0x17a: {  	v2 =	vld [tilespmem:s2+$0x30];
	_ =	sdelay $0x1  }
0x17b: {  	v3 =	vld [tilespmem:s2+$0x0]  }
0x17c: {  	v4 =	vld [tilespmem:s2+$0x10]  }
0x17d: {  	v5 =	vld [tilespmem:s2+$0x20]  }
0x17e: {  	v6 =	vld [tilespmem:s2+$0x4030];
	v2 =	vmul.f32 $3.413333440e+02, v2;
	_ =	sdelay $0x1  }
0x17f: {  	s6 =	simm.s32 $0x40;
	s1 =	simm.s32 $0x200;
	v8 =	vld [tilespmem:s2+$0x4010];
	v2 =	vadd.f32 $1.258700800e+07, v2  }
0x180: {  	s5 =	simm.s32 $0x10;
	s0 =	sand.u32 $0x3000, s6;
	s7 =	sand.u32 $0xC00, s1;
	v3 =	vmul.f32 $3.413333440e+02, v3  }
0x181: {  	s5 =	sand.u32 $0x380, s5;
	v7 =	vld [tilespmem:s2+$0x4000];
	s4 =	sor.u32 s7, s0;
	s0 =	simm.s32 $0x40;
	v4 =	vmul.f32 $3.413333440e+02, v4;
	v5 =	vmul.f32 $3.413333440e+02, v5;
	v2 =	vmax.f32 v2, $1.258291200e+07  }
0x182: {  	s6 =	sand.u32 $0x40, s0;
	s4 =	sor.u32 s5, s4;
	v6 =	vshll.u32 v6, $0xD;
	v3 =	vadd.f32 $1.258700800e+07, v3;
	v2 =	vmin.f32 v2, $1.259110300e+07  }
0x183: {  	v9 =	vld [tilespmem:s2+$0x4020];
	s2 =	sor.u32 s6, s4;
	v4 =	vadd.f32 $1.258700800e+07, v4;
	v5 =	vadd.f32 $1.258700800e+07, v5;
	v2 =	vand.u32 $0x1FFF, v2  }
0x184: {  	v10 =	vld [tilespmem:s2+$0x30];
	v13 =	vshll.u32 v8, $0xD;
	v11 =	vor.u32 v6, v2  }
0x185: {  	v3 =	vmax.f32 v3, $1.258291200e+07;
	v4 =	vmax.f32 v4, $1.258291200e+07;
	v5 =	vmax.f32 v5, $1.258291200e+07;
	v6 =	vld [tilespmem:s2+$0x0]  }
0x186: {  	v3 =	vmin.f32 v3, $1.259110300e+07;
	v4 =	vmin.f32 v4, $1.259110300e+07;
	v2 =	vshll.u32 v7, $0xD;
	v7 =	vld [tilespmem:s2+$0x10]  }
0x187: {  	v63 =	vmin.f32 v5, $1.259110300e+07;
	v5 =	vld [tilespmem:s2+$0x20];
	v3 =	vand.u32 $0x1FFF, v3;
	v14 =	vand.u32 $0x1FFF, v4  }
0x188: {  	v8 =	vld [tilespmem:s2+$0x4000];
	v12 =	vand.u32 $0x1FFF, v63;
	v4 =	vor.u32 v2, v3;
	v2 =	vshll.u32 v9, $0xD  }
0x189: {  	s4 =	simm.s32 $0x4;
	v3 =	vor.u32 v13, v14;
	v9 =	vmul.f32 $3.413333440e+02, v10;
	v2 =	vor.u32 v2, v12;
	[tilespmem:v11+s26+$0x0] =	vst.idx.add.f32.msk $0xffff, v1  }
.LBB2_16:
0x18a: {  	s4 =	sadd.s32 $0x4, s4;
	v6 =	vmul.f32 $3.413333440e+02, v6;
	v10 =	vld [tilespmem:s2+$0x4030]  }
0x18b: {  	s1 =	sadd.s32 $0x200, s1;
	s5 =	sshll.u32 s4, $0x4;
	p0 =	slt.u32 s4, $0x3FC;
	v11 =	vld [tilespmem:s2+$0x4010];
	v7 =	vmul.f32 $3.413333440e+02, v7;
	v9 =	vadd.f32 $1.258700800e+07, v9  }
0x18c: {  	s6 =	sand.u32 $0xC00, s1;
	s7 =	sshll.u32 s4, $0x2;
	s5 =	sand.u32 $0x3000, s5;
	v6 =	vadd.f32 $1.258700800e+07, v6;
	v12 =	vld [tilespmem:s2+$0x4020];
	v5 =	vmul.f32 $3.413333440e+02, v5  }
0x18d: {  	s0 =	sadd.s32 $0x40, s0;
	s2 =	sor.u32 s6, s5;
	s5 =	sand.u32 $0x380, s7;
	v8 =	vshll.u32 v8, $0xD;
	v7 =	vadd.f32 $1.258700800e+07, v7;
	v9 =	vmax.f32 v9, $1.258291200e+07;
	[tilespmem:v4+s26+$0x0] =	vst.idx.add.f32.msk $0xffff, v1  }
0x18e: {  	s6 =	sand.u32 $0x40, s0;
	s2 =	sor.u32 s5, s2;
	v4 =	vmax.f32 v6, $1.258291200e+07;
	v5 =	vadd.f32 $1.258700800e+07, v5;
	v6 =	vmin.f32 v9, $1.259110300e+07;
	[tilespmem:v3+s26+$0x0] =	vst.idx.add.f32.msk $0xffff, v1  }
0x18f: {  	s2 =	sor.u32 s6, s2;
	v3 =	vmax.f32 v7, $1.258291200e+07;
	v7 =	vshll.u32 v10, $0xD;
	v6 =	vand.u32 $0x1FFF, v6;
	[tilespmem:v2+s26+$0x0] =	vst.idx.add.f32.msk $0xffff, v1  }
0x190: {  	v2 =	vmin.f32 v4, $1.259110300e+07;
	v9 =	vld [tilespmem:s2+$0x30];
	v4 =	vmax.f32 v5, $1.258291200e+07;
	v10 =	vor.u32 v7, v6  }
.Ltmp7:
0x191: {  	v2 =	vand.u32 $0x1FFF, v2;
	v3 =	vmin.f32 v3, $1.259110300e+07;
	v6 =	vld [tilespmem:s2+$0x0];
	v4 =	vmin.f32 v4, $1.259110300e+07;
	(pc) =	sbr.rel @p0 .LBB2_16-.Ltmp7, $4  }
0x192: {  	v11 =	vshll.u32 v11, $0xD;
	v3 =	vand.u32 $0x1FFF, v3;
	v7 =	vld [tilespmem:s2+$0x10];
	v13 =	vand.u32 $0x1FFF, v4  }
0x193: {  	v4 =	vor.u32 v8, v2;
	v3 =	vor.u32 v11, v3;
	v2 =	vshll.u32 v12, $0xD;
	v5 =	vld [tilespmem:s2+$0x20]  }
0x194: {  	v2 =	vor.u32 v2, v13;
	v8 =	vld [tilespmem:s2+$0x4000]  }
0x195: {  	v9 =	vmul.f32 $3.413333440e+02, v9;
	[tilespmem:v10+s26+$0x0] =	vst.idx.add.f32.msk $0xffff, v1  }
0x196: {  	v6 =	vmul.f32 $3.413333440e+02, v6;
	v10 =	vld [tilespmem:s2+$0x4030]  }
0x197: {  	v7 =	vmul.f32 $3.413333440e+02, v7;
	v9 =	vadd.f32 $1.258700800e+07, v9  }
0x198: {  	v11 =	vld [tilespmem:s2+$0x4010];
	v6 =	vadd.f32 $1.258700800e+07, v6;
	v5 =	vmul.f32 $3.413333440e+02, v5  }
0x199: {  	v8 =	vshll.u32 v8, $0xD;
	v7 =	vadd.f32 $1.258700800e+07, v7;
	v9 =	vmax.f32 v9, $1.258291200e+07  }
0x19a: {  	v12 =	vld [tilespmem:s2+$0x4020];
	v6 =	vmax.f32 v6, $1.258291200e+07;
	v5 =	vadd.f32 $1.258700800e+07, v5;
	v9 =	vmin.f32 v9, $1.259110300e+07  }
0x19b: {  	v7 =	vmax.f32 v7, $1.258291200e+07;
	v10 =	vshll.u32 v10, $0xD;
	v9 =	vand.u32 $0x1FFF, v9  }
0x19c: {  	v6 =	vmin.f32 v6, $1.259110300e+07;
	v5 =	vmax.f32 v5, $1.258291200e+07;
	v9 =	vor.u32 v10, v9  }
0x19d: {  	v6 =	vand.u32 $0x1FFF, v6;
	v7 =	vmin.f32 v7, $1.259110300e+07;
	v10 =	vshll.u32 v11, $0xD  }
0x19e: {  	v5 =	vmin.f32 v5, $1.259110300e+07;
	v7 =	vand.u32 $0x1FFF, v7;
	v6 =	vor.u32 v8, v6  }
0x19f: {  	[tilespmem:v4+s26+$0x0] =	vst.idx.add.f32.msk $0xffff, v1;
	v4 =	vand.u32 $0x1FFF, v5;
	v5 =	vor.u32 v10, v7;
	v7 =	vshll.u32 v12, $0xD  }
0x1a0: {  	[tilespmem:v3+s26+$0x0] =	vst.idx.add.f32.msk $0xffff, v1;
	v3 =	vor.u32 v7, v4  }
0x1a1: {  	[tilespmem:v2+s26+$0x0] =	vst.idx.add.f32.msk $0xffff, v1  }
0x1a2: {  	[tilespmem:v9+s26+$0x0] =	vst.idx.add.f32.msk $0xffff, v1  }
0x1a3: {  	[tilespmem:v6+s26+$0x0] =	vst.idx.add.f32.msk $0xffff, v1  }
0x1a4: {  	[tilespmem:v5+s26+$0x0] =	vst.idx.add.f32.msk $0xffff, v1  }
0x1a5: {  	[tilespmem:v3+s26+$0x0] =	vst.idx.add.f32.msk $0xffff, v1  }
0x1a6: {  	s0 =	simm.s32 $0x0;
	_ =	swait.ge [sflag:s28], $0x4000  }
0x1a7: {  	s1 =	simm.s32 $0x0;
	s4 =	simm.s32 $0x0;
	[sflag:s28] =	ssyncset.done $0x0  }
0x1a8: {  	s1 =	sand.u32 $0x3000, s1;
	s7 =	sand.u32 $0xC00, s0;
	[sflag:s28] =	ssyncadd.s32 $0xFFFFC000  }
0x1a9: {  	s5 =	sand.u32 $0x380, s4;
	s1 =	sor.u32 s7, s1;
	_ =	swait.ge [sflag:s29], $0x4000  }
0x1aa: {  	s0 =	sand.u32 $0x40, s0;
	s1 =	sor.u32 s5, s1;
	[sflag:s29] =	ssyncset.done $0x0  }
0x1ab: {  	s2 =	sor.u32 s0, s1;
	[sflag:s29] =	ssyncadd.s32 $0xFFFFC000  }
0x1ac: {  	v2 =	vld [tilespmem:s2+$0x8030];
	_ =	sdelay $0x1  }
0x1ad: {  	v3 =	vld [tilespmem:s2+$0x8000]  }
0x1ae: {  	v4 =	vld [tilespmem:s2+$0x8010]  }
0x1af: {  	v5 =	vld [tilespmem:s2+$0x8020]  }
0x1b0: {  	v6 =	vld [tilespmem:s2+$0xC030];
	v2 =	vmul.f32 $3.413333440e+02, v2;
	_ =	sdelay $0x1  }
0x1b1: {  	s6 =	simm.s32 $0x40;
	s1 =	simm.s32 $0x200;
	v8 =	vld [tilespmem:s2+$0xC010];
	v2 =	vadd.f32 $1.258700800e+07, v2  }
0x1b2: {  	s5 =	simm.s32 $0x10;
	s0 =	sand.u32 $0x3000, s6;
	s7 =	sand.u32 $0xC00, s1;
	v3 =	vmul.f32 $3.413333440e+02, v3  }
0x1b3: {  	s5 =	sand.u32 $0x380, s5;
	s4 =	sor.u32 s7, s0;
	s0 =	simm.s32 $0x40;
	v7 =	vld [tilespmem:s2+$0xC000];
	v4 =	vmul.f32 $3.413333440e+02, v4;
	v5 =	vmul.f32 $3.413333440e+02, v5;
	v2 =	vmax.f32 v2, $1.258291200e+07  }
0x1b4: {  	s6 =	sand.u32 $0x40, s0;
	s4 =	sor.u32 s5, s4;
	v6 =	vshll.u32 v6, $0xD;
	v3 =	vadd.f32 $1.258700800e+07, v3;
	v2 =	vmin.f32 v2, $1.259110300e+07  }
0x1b5: {  	v9 =	vld [tilespmem:s2+$0xC020];
	s2 =	sor.u32 s6, s4;
	v4 =	vadd.f32 $1.258700800e+07, v4;
	v5 =	vadd.f32 $1.258700800e+07, v5;
	v2 =	vand.u32 $0x1FFF, v2  }
0x1b6: {  	v10 =	vld [tilespmem:s2+$0x8030];
	v13 =	vshll.u32 v8, $0xD;
	v11 =	vor.u32 v6, v2  }
0x1b7: {  	v3 =	vmax.f32 v3, $1.258291200e+07;
	v4 =	vmax.f32 v4, $1.258291200e+07;
	v5 =	vmax.f32 v5, $1.258291200e+07;
	v6 =	vld [tilespmem:s2+$0x8000]  }
0x1b8: {  	v3 =	vmin.f32 v3, $1.259110300e+07;
	v4 =	vmin.f32 v4, $1.259110300e+07;
	v2 =	vshll.u32 v7, $0xD;
	v7 =	vld [tilespmem:s2+$0x8010]  }
0x1b9: {  	v63 =	vmin.f32 v5, $1.259110300e+07;
	v5 =	vld [tilespmem:s2+$0x8020];
	v3 =	vand.u32 $0x1FFF, v3;
	v14 =	vand.u32 $0x1FFF, v4  }
0x1ba: {  	v8 =	vld [tilespmem:s2+$0xC000];
	v12 =	vand.u32 $0x1FFF, v63;
	v4 =	vor.u32 v2, v3;
	v2 =	vshll.u32 v9, $0xD  }
0x1bb: {  	s4 =	simm.s32 $0x4;
	v3 =	vor.u32 v13, v14;
	v9 =	vmul.f32 $3.413333440e+02, v10;
	v2 =	vor.u32 v2, v12;
	[tilespmem:v11+s26+$0x0] =	vst.idx.add.f32.msk $0xffff, v1  }
.LBB2_18:
0x1bc: {  	s4 =	sadd.s32 $0x4, s4;
	v6 =	vmul.f32 $3.413333440e+02, v6;
	v10 =	vld [tilespmem:s2+$0xC030]  }
0x1bd: {  	s1 =	sadd.s32 $0x200, s1;
	s5 =	sshll.u32 s4, $0x4;
	p0 =	slt.u32 s4, $0x3FC;
	v11 =	vld [tilespmem:s2+$0xC010];
	v7 =	vmul.f32 $3.413333440e+02, v7;
	v9 =	vadd.f32 $1.258700800e+07, v9  }
0x1be: {  	s6 =	sand.u32 $0xC00, s1;
	s7 =	sshll.u32 s4, $0x2;
	s5 =	sand.u32 $0x3000, s5;
	v6 =	vadd.f32 $1.258700800e+07, v6;
	v12 =	vld [tilespmem:s2+$0xC020];
	v5 =	vmul.f32 $3.413333440e+02, v5  }
0x1bf: {  	s0 =	sadd.s32 $0x40, s0;
	s2 =	sor.u32 s6, s5;
	s5 =	sand.u32 $0x380, s7;
	v8 =	vshll.u32 v8, $0xD;
	v7 =	vadd.f32 $1.258700800e+07, v7;
	v9 =	vmax.f32 v9, $1.258291200e+07;
	[tilespmem:v4+s26+$0x0] =	vst.idx.add.f32.msk $0xffff, v1  }
0x1c0: {  	s6 =	sand.u32 $0x40, s0;
	s2 =	sor.u32 s5, s2;
	v4 =	vmax.f32 v6, $1.258291200e+07;
	v5 =	vadd.f32 $1.258700800e+07, v5;
	v6 =	vmin.f32 v9, $1.259110300e+07;
	[tilespmem:v3+s26+$0x0] =	vst.idx.add.f32.msk $0xffff, v1  }
0x1c1: {  	s2 =	sor.u32 s6, s2;
	v3 =	vmax.f32 v7, $1.258291200e+07;
	v7 =	vshll.u32 v10, $0xD;
	v6 =	vand.u32 $0x1FFF, v6;
	[tilespmem:v2+s26+$0x0] =	vst.idx.add.f32.msk $0xffff, v1  }
0x1c2: {  	v2 =	vmin.f32 v4, $1.259110300e+07;
	v9 =	vld [tilespmem:s2+$0x8030];
	v4 =	vmax.f32 v5, $1.258291200e+07;
	v10 =	vor.u32 v7, v6  }
.Ltmp8:
0x1c3: {  	v2 =	vand.u32 $0x1FFF, v2;
	v3 =	vmin.f32 v3, $1.259110300e+07;
	v6 =	vld [tilespmem:s2+$0x8000];
	v4 =	vmin.f32 v4, $1.259110300e+07;
	(pc) =	sbr.rel @p0 .LBB2_18-.Ltmp8, $4  }
0x1c4: {  	v11 =	vshll.u32 v11, $0xD;
	v3 =	vand.u32 $0x1FFF, v3;
	v7 =	vld [tilespmem:s2+$0x8010];
	v13 =	vand.u32 $0x1FFF, v4  }
0x1c5: {  	v4 =	vor.u32 v8, v2;
	v3 =	vor.u32 v11, v3;
	v2 =	vshll.u32 v12, $0xD;
	v5 =	vld [tilespmem:s2+$0x8020]  }
0x1c6: {  	v2 =	vor.u32 v2, v13;
	v8 =	vld [tilespmem:s2+$0xC000]  }
0x1c7: {  	v9 =	vmul.f32 $3.413333440e+02, v9;
	[tilespmem:v10+s26+$0x0] =	vst.idx.add.f32.msk $0xffff, v1  }
0x1c8: {  	v6 =	vmul.f32 $3.413333440e+02, v6;
	v10 =	vld [tilespmem:s2+$0xC030]  }
0x1c9: {  	v11 =	vld [tilespmem:s2+$0xC010];
	v7 =	vmul.f32 $3.413333440e+02, v7;
	v9 =	vadd.f32 $1.258700800e+07, v9  }
0x1ca: {  	v6 =	vadd.f32 $1.258700800e+07, v6;
	v5 =	vmul.f32 $3.413333440e+02, v5  }
0x1cb: {  	v8 =	vshll.u32 v8, $0xD;
	v7 =	vadd.f32 $1.258700800e+07, v7;
	v9 =	vmax.f32 v9, $1.258291200e+07  }
0x1cc: {  	v12 =	vld [tilespmem:s2+$0xC020];
	v6 =	vmax.f32 v6, $1.258291200e+07;
	v5 =	vadd.f32 $1.258700800e+07, v5;
	v9 =	vmin.f32 v9, $1.259110300e+07  }
0x1cd: {  	v7 =	vmax.f32 v7, $1.258291200e+07;
	v10 =	vshll.u32 v10, $0xD;
	v9 =	vand.u32 $0x1FFF, v9  }
0x1ce: {  	v6 =	vmin.f32 v6, $1.259110300e+07;
	v60 =	vshll.u32 v11, $0xD;
	v5 =	vmax.f32 v5, $1.258291200e+07  }
0x1cf: {  	v9 =	vor.u32 v10, v9;
	v6 =	vand.u32 $0x1FFF, v6;
	v7 =	vmin.f32 v7, $1.259110300e+07  }
0x1d0: {  	v5 =	vmin.f32 v5, $1.259110300e+07;
	v7 =	vand.u32 $0x1FFF, v7;
	v6 =	vor.u32 v8, v6  }
0x1d1: {  	[tilespmem:v4+s26+$0x0] =	vst.idx.add.f32.msk $0xffff, v1;
	v63 =	vshll.u32 v12, $0xD;
	v61 =	vand.u32 $0x1FFF, v5;
	v62 =	vor.u32 v60, v7  }
0x1d2: {  	[tilespmem:v3+s26+$0x0] =	vst.idx.add.f32.msk $0xffff, v1;
	v3 =	vor.u32 v63, v61  }
0x1d3: {  	[tilespmem:v2+s26+$0x0] =	vst.idx.add.f32.msk $0xffff, v1  }
0x1d4: {  	[tilespmem:v9+s26+$0x0] =	vst.idx.add.f32.msk $0xffff, v1  }
0x1d5: {  	s31 =	sadd.s32 $0x1, s31;
	[tilespmem:v6+s26+$0x0] =	vst.idx.add.f32.msk $0xffff, v1  }
0x1d6: {  	p0 =	sne.s32 s31, s21;
	[tilespmem:v62+s26+$0x0] =	vst.idx.add.f32.msk $0xffff, v1  }
.Ltmp9:
0x1d7: {  	s0 =	simm.s32 $0x0;
	[tilespmem:v3+s26+$0x0] =	vst.idx.add.f32.msk $0xffff, v1;
	(pc) =	sbr.rel @p0 .LBB2_1-.Ltmp9, $4  }
0x1d8: {  	[hbm4b:s20+s0] =	stream.linear.scatter [tilespmem:s26], [sflag:$0x5], $0x4000, $0x38;
	[tilespmem:$0x14000] =	vst v63  }
0x1d9: {  	_ =	swait.ge [sflag:s30], $0x4000  }
0x1da: {  	[sflag:s30] =	ssyncset.done $0x0  }
0x1db: {  	[sflag:s30] =	ssyncadd.s32 $0xFFFFC000  }
0x1dc: {  	_ =	sfence.sel $0x180000  }
0x1dd: {  	[bflag:$0x0] =	sbarrier.arrive $0xFFFF  }
0x1de: {  	_ =	strace $0x90000047  }
0x1df: {  	s0 =	stileid.u32;
	[bflag:$0x2] =	sbarrier.arrive $0xFFFF  }
0x1e0: {  	p0 =	sne.s32 s0, $0x0;
	s0 =	rddreg [dreg:$0x3]  }
0x1e1: {  	s0 =	sadd.s32 @!p0 $0x100000, s0  }
0x1e2: {  	[sflag:s0] =	ssyncadd.tile.s32 @!p0 $0x1;
	_ =	shalt  }
.Lfunc_end2:
_tile_overlayer_lowered:
.L_overlay_start_2:
0x1e3: {  	(tag) =	ssettag $0x2  }
0x1e4: {  	s0 =	rddreg [dreg:$0x0];
	s2 =	stileid.u32  }
0x1e5: {  	s1 =	rddreg [dreg:$0x1];
	p0 =	sne.s32 s2, $0x0  }
0x1e6: {  	s3 =	rddreg [dreg:$0x2];
	[bflag:$0x3] =	sbarrier.arrive $0xFFFF;
	s2 =	simm.s32 @!p0 $0x1C05  }
0x1e7: {  	[timem:s3], [sflag:s2] =	dma.local @!p0 [hbm:s0], s1  }
0x1e8: {  	s0 =	simm.s32 @!p0 $0x5  }
0x1e9: {  	_ =	swait.ge @!p0 [sflag:s0], s1  }
0x1ea: {  	s1 =	ssub.s32 @!p0 $0x0, s1;
	[sflag:s0] =	ssyncset.done @!p0 $0x0  }
0x1eb: {  	[sflag:s0] =	ssyncadd.s32 @!p0 s1  }
0x1ec: {  	[bflag:$0x3] =	sbarrier.arrive $0xFFFF  }
0x1ed: {  	_ =	shalt  }

</sc_bundles>
